<compile_context>
chip_gen: v7x
topology: tpu7x:2x2x1
jax: 0.10.2.dev20260603
libtpu: 0.0.44.dev20260713+nightly
codegen_flags: <defaults>
</compile_context>

<pallas_src>
import functools

import jax
import jax.numpy as jnp
from jax import lax
from jax.experimental import pallas as pl
from jax.experimental.pallas import tpu as pltpu
from jax.experimental.pallas import tpu_sc as plsc

NC = 2
NS = 16
CH = 125


def _sc_segsum(table2, gidx, sidx, zeros):
  _, R, DH = table2.shape
  nchunk = gidx.shape[1]
  rpt = (R // NS) // 8 * 8
  tail = R - NS * rpt
  mesh = plsc.VectorSubcoreMesh(core_axis_name="c", subcore_axis_name="s",
                                num_cores=NC, num_subcores=NS)

  @functools.partial(
      pl.kernel,
      out_type=jax.ShapeDtypeStruct((NC * R, DH), jnp.float32),
      mesh=mesh,
      scratch_types=[
          pltpu.VMEM((nchunk, CH), jnp.int32),
          pltpu.VMEM((nchunk, CH), jnp.int32),
          pltpu.VMEM((CH, DH), jnp.float32),
          pltpu.VMEM((CH, DH), jnp.float32),
          pltpu.VMEM_SHARED((R, DH), jnp.float32),
          pltpu.SemaphoreType.DMA,
          pltpu.SemaphoreType.DMA,
      ],
      compiler_params=pltpu.CompilerParams(use_tc_tiling_on_sc=False),
  )
  def k(table_hbm, gidx_hbm, sidx_hbm, zeros_hbm, part_hbm,
        gidx_v, sidx_v, rows0, rows1, acc, sem0, sem1):
    c = lax.axis_index("c")
    s = lax.axis_index("s")
    tbl = table_hbm.at[c]
    pltpu.sync_copy(zeros_hbm.at[pl.ds(s * rpt, rpt)], acc.at[pl.ds(s * rpt, rpt)])

    @pl.when(s == 0)
    def _():
      pltpu.sync_copy(zeros_hbm.at[pl.ds(NS * rpt, tail)],
                      acc.at[pl.ds(NS * rpt, tail)])

    pltpu.sync_copy(gidx_hbm.at[s], gidx_v)
    pltpu.sync_copy(sidx_hbm.at[s], sidx_v)
    plsc.subcore_barrier()

    pltpu.make_async_copy(tbl.at[gidx_v.at[0]], rows0, sem0).start()

    @pl.loop(0, nchunk // 2)
    def _(kk):
      g0 = 2 * kk
      pltpu.make_async_copy(tbl.at[gidx_v.at[g0 + 1]], rows1, sem1).start()
      pltpu.make_async_copy(tbl.at[gidx_v.at[g0]], rows0, sem0).wait()
      pltpu.sync_copy(rows0, acc.at[sidx_v.at[g0]], add=True)

      @pl.when(g0 + 2 < nchunk)
      def _():
        pltpu.make_async_copy(tbl.at[gidx_v.at[g0 + 2]], rows0, sem0).start()

      pltpu.make_async_copy(tbl.at[gidx_v.at[g0 + 1]], rows1, sem1).wait()
      pltpu.sync_copy(rows1, acc.at[sidx_v.at[g0 + 1]], add=True)

    if nchunk % 2 == 1:
      pltpu.make_async_copy(tbl.at[gidx_v.at[nchunk - 1]], rows0, sem0).wait()
      pltpu.sync_copy(rows0, acc.at[sidx_v.at[nchunk - 1]], add=True)

    plsc.subcore_barrier()
    pltpu.sync_copy(acc.at[pl.ds(s * rpt, rpt)],
                    part_hbm.at[pl.ds(c * R + s * rpt, rpt)])

    @pl.when(s == 0)
    def _():
      pltpu.sync_copy(acc.at[pl.ds(NS * rpt, tail)],
                      part_hbm.at[pl.ds(c * R + NS * rpt, tail)])

  return k(table2, gidx, sidx, zeros)


def _tc_phase1(vfeat, vrw, W1, Wve, b1, bve):
  n, d_in = vfeat.shape
  de = Wve.shape[1]
  dh = de // 2
  bn = 2000

  def body(vf, wr, w1, wv, b1r, bver, o):
    t = jnp.dot(vf[...], w1[...], preferred_element_type=jnp.float32)
    bias = jnp.dot(b1r[...], wv[...], preferred_element_type=jnp.float32) + bver[...]
    u = wr[...] * (jnp.dot(t, wv[...], preferred_element_type=jnp.float32) + bias)
    o[0] = u[:, :dh]
    o[1] = u[:, dh:]

  return pl.pallas_call(
      body,
      grid=(n // bn,),
      in_specs=[
          pl.BlockSpec((bn, d_in), lambda i: (i, 0)),
          pl.BlockSpec((bn, 1), lambda i: (i, 0)),
          pl.BlockSpec(W1.shape, lambda i: (0, 0)),
          pl.BlockSpec(Wve.shape, lambda i: (0, 0)),
          pl.BlockSpec((1, de), lambda i: (0, 0)),
          pl.BlockSpec((1, de), lambda i: (0, 0)),
      ],
      out_specs=pl.BlockSpec((2, bn, dh), lambda i: (0, i, 0)),
      out_shape=jax.ShapeDtypeStruct((2, n, dh), jnp.float32),
  )(vfeat, vrw, W1, Wve, b1, bve)


def _tc_phase2(p0, p1, ers, erw, Wev, bev):
  m, dh = p0.shape
  dv = Wev.shape[1]
  dvh = dv // 2
  bm = 2000

  def body(a, b, ersr, erwr, wev, bevr, o):
    f0 = a[...] / ersr[...]
    f1 = b[...] / ersr[...]
    u = jnp.dot(f0, wev[:dh], preferred_element_type=jnp.float32)
    u += jnp.dot(f1, wev[dh:], preferred_element_type=jnp.float32)
    y = erwr[...] * (u + bevr[...])
    o[0] = y[:, :dvh]
    o[1] = y[:, dvh:]

  return pl.pallas_call(
      body,
      grid=(m // bm,),
      in_specs=[
          pl.BlockSpec((bm, dh), lambda i: (i, 0)),
          pl.BlockSpec((bm, dh), lambda i: (i, 0)),
          pl.BlockSpec((bm, 1), lambda i: (i, 0)),
          pl.BlockSpec((bm, 1), lambda i: (i, 0)),
          pl.BlockSpec(Wev.shape, lambda i: (0, 0)),
          pl.BlockSpec((1, dv), lambda i: (0, 0)),
      ],
      out_specs=pl.BlockSpec((2, bm, dvh), lambda i: (0, i, 0)),
      out_shape=jax.ShapeDtypeStruct((2, m, dvh), jnp.float32),
  )(p0, p1, ers, erw, Wev, bev)


def _tc_finish(q0, q1, vrs):
  n, dvh = q0.shape
  bn = 2000

  def body(a, b, vr, o):
    o[...] = jnp.concatenate([a[...], b[...]], axis=1) / vr[...]

  return pl.pallas_call(
      body,
      grid=(n // bn,),
      in_specs=[
          pl.BlockSpec((bn, dvh), lambda i: (i, 0)),
          pl.BlockSpec((bn, dvh), lambda i: (i, 0)),
          pl.BlockSpec((bn, 1), lambda i: (i, 0)),
      ],
      out_specs=pl.BlockSpec((bn, 2 * dvh), lambda i: (i, 0)),
      out_shape=jax.ShapeDtypeStruct((n, 2 * dvh), jnp.float32),
  )(q0, q1, vrs)


def kernel(vfeat, efeat, v_reg_weight, v_reg_sum, e_reg_weight, e_reg_sum,
           in_edge_index, W1, b1, Wve, bve, Wev, bev):
  n = vfeat.shape[0]
  m = e_reg_sum.shape[0]
  e = in_edge_index.shape[1]
  nchunk = e // (NS * CH)

  idx = in_edge_index.astype(jnp.int32)
  src = idx[0].reshape(NS, nchunk, CH)
  dst = idx[1].reshape(NS, nchunk, CH)
  zeros = jnp.zeros((n, vfeat.shape[1] // 2), jnp.float32)

  x2 = _tc_phase1(vfeat, v_reg_weight, W1, Wve, b1[None], bve[None])
  part_e = _sc_segsum(x2, src, dst, zeros)
  y2 = _tc_phase2(part_e[:m], part_e[m:], e_reg_sum, e_reg_weight, Wev, bev[None])
  part_v = _sc_segsum(y2, dst, src, zeros)
  return _tc_finish(part_v[:n], part_v[n:], v_reg_sum)

# --- scband reference (transcript-rebuilt; emitter-appended) ---
"""Pipeline reference for scband-hnhn-46574625357936 (READ-ONLY COPY).

The authoritative reference and input builder live on the scoring server;
editing this copy changes nothing except your own understanding.
"""

import jax, jax.numpy as jnp
import numpy as np

N = 10000   # nodes
M = 10000   # hyperedges
E = 320000  # incidences
D_IN = 128
DV = 128
DE = 128


def setup_inputs(seed: int = 0) -> dict:
    key = jax.random.key(seed)
    ks = jax.random.split(key, 16)
    vfeat = jax.random.normal(ks[0], (N, D_IN), dtype=jnp.float32)
    efeat = jax.random.normal(ks[1], (M, DE), dtype=jnp.float32)
    # reg weights/sums are positive degree-style normalizers; shift uniform away from 0
    v_reg_weight = jax.random.uniform(ks[2], (N, 1), minval=0.5, maxval=1.5, dtype=jnp.float32)
    v_reg_sum = jax.random.uniform(ks[3], (N, 1), minval=0.5, maxval=1.5, dtype=jnp.float32)
    e_reg_weight = jax.random.uniform(ks[4], (M, 1), minval=0.5, maxval=1.5, dtype=jnp.float32)
    e_reg_sum = jax.random.uniform(ks[5], (M, 1), minval=0.5, maxval=1.5, dtype=jnp.float32)
    in_edge_index = jax.random.randint(ks[6], (2, E), 0, N, dtype=jnp.int64)
    # learned params (vtx_lin_1layer, ve_lin, ev_lin)
    s1 = 1.0 / np.sqrt(D_IN)
    s2 = 1.0 / np.sqrt(DV)
    s3 = 1.0 / np.sqrt(DE)
    W1 = jax.random.uniform(ks[7], (D_IN, DV), minval=-s1, maxval=s1, dtype=jnp.float32)
    b1 = jax.random.uniform(ks[8], (DV,), minval=-s1, maxval=s1, dtype=jnp.float32)
    Wve = jax.random.uniform(ks[9], (DV, DE), minval=-s2, maxval=s2, dtype=jnp.float32)
    bve = jax.random.uniform(ks[10], (DE,), minval=-s2, maxval=s2, dtype=jnp.float32)
    Wev = jax.random.uniform(ks[11], (DE, DV), minval=-s3, maxval=s3, dtype=jnp.float32)
    bev = jax.random.uniform(ks[12], (DV,), minval=-s3, maxval=s3, dtype=jnp.float32)
    return {"vfeat": vfeat, "efeat": efeat, "v_reg_weight": v_reg_weight,
            "v_reg_sum": v_reg_sum, "e_reg_weight": e_reg_weight, "e_reg_sum": e_reg_sum,
            "in_edge_index": in_edge_index, "W1": W1, "b1": b1, "Wve": Wve, "bve": bve,
            "Wev": Wev, "bev": bev}


def reference(vfeat, efeat, v_reg_weight, v_reg_sum, e_reg_weight, e_reg_sum,
              in_edge_index, W1, b1, Wve, bve, Wev, bev):
    src = in_edge_index[0]  # node ids ('in' etype: node -> hyperedge)
    dst = in_edge_index[1]  # hyperedge ids
    # vertex first layer
    feat_v = vfeat @ W1 + b1                      # [N, DV]
    # phase 1: node -> hyperedge along 'in' edges
    Wh_v = feat_v @ Wve + bve                     # [N, DE]
    w_in = v_reg_weight[src] / e_reg_sum[dst]     # [E, 1]
    feat_e = jax.ops.segment_sum(w_in * Wh_v[src], dst, num_segments=M)  # [M, DE]
    # phase 2: hyperedge -> node along 'con' edges (reverse of 'in')
    Wh_e = feat_e @ Wev + bev                     # [M, DV]
    w_con = e_reg_weight[dst] / v_reg_sum[src]    # [E, 1]
    feat_v_out = jax.ops.segment_sum(w_con * Wh_e[dst], src, num_segments=N)  # [N, DV]
    return feat_v_out

if __name__ == "__main__":
    import jax
    _d = setup_inputs()
    print(jax.jit(kernel)(*tuple(_d.values())))

</pallas_src>

<mosaic_0001>
#map = affine_map<(d0, d1) -> (0, 0, 0)>
#map1 = affine_map<(d0, d1) -> (0, 0)>
module attributes {stable_mosaic.version = 14 : i64} {
  func.func @k(%arg0: i32, %arg1: i32, %arg2: memref<2x10000x64xf32, #tpu.memory_space<hbm>>, %arg3: memref<16x160x125xi32, #tpu.memory_space<hbm>>, %arg4: memref<16x160x125xi32, #tpu.memory_space<hbm>>, %arg5: memref<10000x64xf32, #tpu.memory_space<hbm>>, %arg6: memref<20000x64xf32, #tpu.memory_space<hbm>>, %arg7: memref<160x125xi32, #tpu.memory_space<vmem>>, %arg8: memref<160x125xi32, #tpu.memory_space<vmem>>, %arg9: memref<125x64xf32, #tpu.memory_space<vmem>>, %arg10: memref<125x64xf32, #tpu.memory_space<vmem>>, %arg11: memref<10000x64xf32, #tpu.memory_space<vmem_shared>>, %arg12: memref<!tpu.dma_semaphore, #tpu.memory_space<semaphore_mem>>, %arg13: memref<!tpu.dma_semaphore, #tpu.memory_space<semaphore_mem>>) attributes {dimension_semantics = [#tpu.dimension_semantics<core_parallel>, #tpu.dimension_semantics<subcore_parallel>], iteration_bounds = array<i64: 2, 16>, scalar_prefetch = 0 : i64, scratch_operands = 7 : i64, tpu.core_type = #tpu.core_type<sc_vector_subcore>, window_params = [{transform_indices = #map}, {transform_indices = #map}, {transform_indices = #map}, {transform_indices = #map1}, {transform_indices = #map1}]} {
    %mul3A = arith.constant 624 : i32
    %mul3A_0 = arith.muli %arg1, %mul3A : i32
    %mul3A_1 = arith.constant 624 : i32
    %mul3A_2 = arith.muli %arg1, %mul3A_1 : i32
    "tpu.region"() ({
      %run_scoped3A = tpu.sem_alloc : memref<!tpu.dma_semaphore, #tpu.memory_space<semaphore_mem>>
      %dma_start3A_31 = arith.constant 0 : i32
      %dma_start3A_32 = tpu.memref_slice %arg11[%mul3A_2, %dma_start3A_31] : memref<10000x64xf32, #tpu.memory_space<vmem_shared>> -> memref<624x64xf32, #tpu.memory_space<vmem_shared>>
      %dma_start3A_33 = arith.constant 0 : i32
      %dma_start3A_34 = tpu.memref_slice %arg5[%mul3A_0, %dma_start3A_33] : memref<10000x64xf32, #tpu.memory_space<hbm>> -> memref<624x64xf32, #tpu.memory_space<hbm>>
      tpu.enqueue_dma source(%dma_start3A_34 : memref<624x64xf32, #tpu.memory_space<hbm>>) target(%dma_start3A_32 : memref<624x64xf32, #tpu.memory_space<vmem_shared>>) target_semaphore(%run_scoped3A : memref<!tpu.dma_semaphore, #tpu.memory_space<semaphore_mem>>)
      %dma_wait3A = arith.constant 0 : i32
      %dma_wait3A_35 = tpu.memref_slice %arg11[%mul3A_2, %dma_wait3A] : memref<10000x64xf32, #tpu.memory_space<vmem_shared>> -> memref<624x64xf32, #tpu.memory_space<vmem_shared>>
      %dma_wait3A_36 = arith.constant 0 : i32
      %dma_wait3A_37 = tpu.memref_slice %arg5[%mul3A_0, %dma_wait3A_36] : memref<10000x64xf32, #tpu.memory_space<hbm>> -> memref<624x64xf32, #tpu.memory_space<hbm>>
      tpu.wait_dma2 semaphore(%run_scoped3A : memref<!tpu.dma_semaphore, #tpu.memory_space<semaphore_mem>>) src(%dma_wait3A_37 : memref<624x64xf32, #tpu.memory_space<hbm>>) dst(%dma_wait3A_35 : memref<624x64xf32, #tpu.memory_space<vmem_shared>>)
      tpu.yield
    }) : () -> ()
    %eq3A = arith.constant 0 : i32
    %eq3A_3 = arith.cmpi eq, %arg1, %eq3A : i32
    %convert_element_type3A = arith.extui %eq3A_3 : i1 to i32
    %cond3A = arith.constant 0 : i32
    %cond3A_4 = arith.cmpi ne, %convert_element_type3A, %cond3A : i32
    scf.if %cond3A_4 {
      "tpu.region"() ({
        %run_scoped3A = tpu.sem_alloc : memref<!tpu.dma_semaphore, #tpu.memory_space<semaphore_mem>>
        %dma_start3A_31 = arith.constant 9984 : i32
        %dma_start3A_32 = arith.constant 0 : i32
        %dma_start3A_33 = tpu.memref_slice %arg11[%dma_start3A_31, %dma_start3A_32] : memref<10000x64xf32, #tpu.memory_space<vmem_shared>> -> memref<16x64xf32, #tpu.memory_space<vmem_shared>>
        %dma_start3A_34 = arith.constant 9984 : i32
        %dma_start3A_35 = arith.constant 0 : i32
        %dma_start3A_36 = tpu.memref_slice %arg5[%dma_start3A_34, %dma_start3A_35] : memref<10000x64xf32, #tpu.memory_space<hbm>> -> memref<16x64xf32, #tpu.memory_space<hbm>>
        tpu.enqueue_dma source(%dma_start3A_36 : memref<16x64xf32, #tpu.memory_space<hbm>>) target(%dma_start3A_33 : memref<16x64xf32, #tpu.memory_space<vmem_shared>>) target_semaphore(%run_scoped3A : memref<!tpu.dma_semaphore, #tpu.memory_space<semaphore_mem>>)
        %dma_wait3A = arith.constant 9984 : i32
        %dma_wait3A_37 = arith.constant 0 : i32
        %dma_wait3A_38 = tpu.memref_slice %arg11[%dma_wait3A, %dma_wait3A_37] : memref<10000x64xf32, #tpu.memory_space<vmem_shared>> -> memref<16x64xf32, #tpu.memory_space<vmem_shared>>
        %dma_wait3A_39 = arith.constant 9984 : i32
        %dma_wait3A_40 = arith.constant 0 : i32
        %dma_wait3A_41 = tpu.memref_slice %arg5[%dma_wait3A_39, %dma_wait3A_40] : memref<10000x64xf32, #tpu.memory_space<hbm>> -> memref<16x64xf32, #tpu.memory_space<hbm>>
        tpu.wait_dma2 semaphore(%run_scoped3A : memref<!tpu.dma_semaphore, #tpu.memory_space<semaphore_mem>>) src(%dma_wait3A_41 : memref<16x64xf32, #tpu.memory_space<hbm>>) dst(%dma_wait3A_38 : memref<16x64xf32, #tpu.memory_space<vmem_shared>>)
        tpu.yield
      }) : () -> ()
    } else {
    }
    "tpu.region"() ({
      %run_scoped3A = tpu.sem_alloc : memref<!tpu.dma_semaphore, #tpu.memory_space<semaphore_mem>>
      %dma_start3A_31 = arith.constant 0 : i32
      %dma_start3A_32 = arith.constant 0 : i32
      %dma_start3A_33 = tpu.memref_slice %arg3[%arg1, %dma_start3A_31, %dma_start3A_32] : memref<16x160x125xi32, #tpu.memory_space<hbm>> -> memref<1x160x125xi32, #tpu.memory_space<hbm>>
      %dma_start3A_34 = tpu.memref_squeeze %dma_start3A_33 : memref<1x160x125xi32, #tpu.memory_space<hbm>> -> memref<160x125xi32, #tpu.memory_space<hbm>>
      %dma_start3A_35 = arith.constant 0 : i32
      %dma_start3A_36 = arith.constant 0 : i32
      %dma_start3A_37 = tpu.memref_slice %arg3[%arg1, %dma_start3A_35, %dma_start3A_36] : memref<16x160x125xi32, #tpu.memory_space<hbm>> -> memref<1x160x125xi32, #tpu.memory_space<hbm>>
      %dma_start3A_38 = tpu.memref_squeeze %dma_start3A_37 : memref<1x160x125xi32, #tpu.memory_space<hbm>> -> memref<160x125xi32, #tpu.memory_space<hbm>>
      tpu.enqueue_dma source(%dma_start3A_38 : memref<160x125xi32, #tpu.memory_space<hbm>>) target(%arg7 : memref<160x125xi32, #tpu.memory_space<vmem>>) target_semaphore(%run_scoped3A : memref<!tpu.dma_semaphore, #tpu.memory_space<semaphore_mem>>)
      %dma_wait3A = arith.constant 0 : i32
      %dma_wait3A_39 = arith.constant 0 : i32
      %dma_wait3A_40 = tpu.memref_slice %arg3[%arg1, %dma_wait3A, %dma_wait3A_39] : memref<16x160x125xi32, #tpu.memory_space<hbm>> -> memref<1x160x125xi32, #tpu.memory_space<hbm>>
      %dma_wait3A_41 = tpu.memref_squeeze %dma_wait3A_40 : memref<1x160x125xi32, #tpu.memory_space<hbm>> -> memref<160x125xi32, #tpu.memory_space<hbm>>
      %dma_wait3A_42 = arith.constant 0 : i32
      %dma_wait3A_43 = arith.constant 0 : i32
      %dma_wait3A_44 = tpu.memref_slice %arg3[%arg1, %dma_wait3A_42, %dma_wait3A_43] : memref<16x160x125xi32, #tpu.memory_space<hbm>> -> memref<1x160x125xi32, #tpu.memory_space<hbm>>
      %dma_wait3A_45 = tpu.memref_squeeze %dma_wait3A_44 : memref<1x160x125xi32, #tpu.memory_space<hbm>> -> memref<160x125xi32, #tpu.memory_space<hbm>>
      tpu.wait_dma2 semaphore(%run_scoped3A : memref<!tpu.dma_semaphore, #tpu.memory_space<semaphore_mem>>) src(%dma_wait3A_45 : memref<160x125xi32, #tpu.memory_space<hbm>>) dst(%arg7 : memref<160x125xi32, #tpu.memory_space<vmem>>)
      tpu.yield
    }) : () -> ()
    "tpu.region"() ({
      %run_scoped3A = tpu.sem_alloc : memref<!tpu.dma_semaphore, #tpu.memory_space<semaphore_mem>>
      %dma_start3A_31 = arith.constant 0 : i32
      %dma_start3A_32 = arith.constant 0 : i32
      %dma_start3A_33 = tpu.memref_slice %arg4[%arg1, %dma_start3A_31, %dma_start3A_32] : memref<16x160x125xi32, #tpu.memory_space<hbm>> -> memref<1x160x125xi32, #tpu.memory_space<hbm>>
      %dma_start3A_34 = tpu.memref_squeeze %dma_start3A_33 : memref<1x160x125xi32, #tpu.memory_space<hbm>> -> memref<160x125xi32, #tpu.memory_space<hbm>>
      %dma_start3A_35 = arith.constant 0 : i32
      %dma_start3A_36 = arith.constant 0 : i32
      %dma_start3A_37 = tpu.memref_slice %arg4[%arg1, %dma_start3A_35, %dma_start3A_36] : memref<16x160x125xi32, #tpu.memory_space<hbm>> -> memref<1x160x125xi32, #tpu.memory_space<hbm>>
      %dma_start3A_38 = tpu.memref_squeeze %dma_start3A_37 : memref<1x160x125xi32, #tpu.memory_space<hbm>> -> memref<160x125xi32, #tpu.memory_space<hbm>>
      tpu.enqueue_dma source(%dma_start3A_38 : memref<160x125xi32, #tpu.memory_space<hbm>>) target(%arg8 : memref<160x125xi32, #tpu.memory_space<vmem>>) target_semaphore(%run_scoped3A : memref<!tpu.dma_semaphore, #tpu.memory_space<semaphore_mem>>)
      %dma_wait3A = arith.constant 0 : i32
      %dma_wait3A_39 = arith.constant 0 : i32
      %dma_wait3A_40 = tpu.memref_slice %arg4[%arg1, %dma_wait3A, %dma_wait3A_39] : memref<16x160x125xi32, #tpu.memory_space<hbm>> -> memref<1x160x125xi32, #tpu.memory_space<hbm>>
      %dma_wait3A_41 = tpu.memref_squeeze %dma_wait3A_40 : memref<1x160x125xi32, #tpu.memory_space<hbm>> -> memref<160x125xi32, #tpu.memory_space<hbm>>
      %dma_wait3A_42 = arith.constant 0 : i32
      %dma_wait3A_43 = arith.constant 0 : i32
      %dma_wait3A_44 = tpu.memref_slice %arg4[%arg1, %dma_wait3A_42, %dma_wait3A_43] : memref<16x160x125xi32, #tpu.memory_space<hbm>> -> memref<1x160x125xi32, #tpu.memory_space<hbm>>
      %dma_wait3A_45 = tpu.memref_squeeze %dma_wait3A_44 : memref<1x160x125xi32, #tpu.memory_space<hbm>> -> memref<160x125xi32, #tpu.memory_space<hbm>>
      tpu.wait_dma2 semaphore(%run_scoped3A : memref<!tpu.dma_semaphore, #tpu.memory_space<semaphore_mem>>) src(%dma_wait3A_45 : memref<160x125xi32, #tpu.memory_space<hbm>>) dst(%arg8 : memref<160x125xi32, #tpu.memory_space<vmem>>)
      tpu.yield
    }) : () -> ()
    %barrier3A = arith.constant 0 : index
    tpu.barrier barrier_id(%barrier3A)
    %dma_start3A = arith.constant 0 : i32
    %dma_start3A_5 = arith.constant 0 : i32
    %dma_start3A_6 = tpu.memref_slice %arg7[%dma_start3A, %dma_start3A_5] : memref<160x125xi32, #tpu.memory_space<vmem>> -> memref<1x125xi32, #tpu.memory_space<vmem>>
    %dma_start3A_7 = tpu.memref_squeeze %dma_start3A_6 : memref<1x125xi32, #tpu.memory_space<vmem>> -> memref<125xi32, #tpu.memory_space<vmem>>
    %dma_start3A_8 = arith.constant 0 : i32
    %dma_start3A_9 = arith.constant 0 : i32
    %dma_start3A_10 = tpu.memref_slice %arg2[%arg0, %dma_start3A_8, %dma_start3A_9] : memref<2x10000x64xf32, #tpu.memory_space<hbm>> -> memref<1x10000x64xf32, #tpu.memory_space<hbm>>
    %dma_start3A_11 = tpu.memref_squeeze %dma_start3A_10 : memref<1x10000x64xf32, #tpu.memory_space<hbm>> -> memref<10000x64xf32, #tpu.memory_space<hbm>>
    %dma_start3A_12 = arith.constant 0 : i32
    %dma_start3A_13 = arith.constant 0 : i32
    %dma_start3A_14 = tpu.memref_slice %dma_start3A_11[%dma_start3A_12, %dma_start3A_13] : memref<10000x64xf32, #tpu.memory_space<hbm>> -> memref<10000x64xf32, #tpu.memory_space<hbm>>
    tpu.enqueue_indirect_dma source(%dma_start3A_14 : memref<10000x64xf32, #tpu.memory_space<hbm>>) target(%arg9 : memref<125x64xf32, #tpu.memory_space<vmem>>) offsets(%dma_start3A_7 : memref<125xi32, #tpu.memory_space<vmem>>) semaphore(%arg12 : memref<!tpu.dma_semaphore, #tpu.memory_space<semaphore_mem>>)
    %scan3A = arith.constant 0 : i32
    %scan3A_15 = arith.constant 80 : i32
    %scan3A_16 = arith.addi %scan3A, %scan3A_15 : i32
    %scan3A_17 = arith.constant 1 : i32
    scf.for %scan3A_31 = %scan3A to %scan3A_16 step %scan3A_17  : i32 {
      %mul3A_32 = arith.constant 1 : i32
      %mul3A_33 = arith.muli %scan3A_31, %mul3A_32 : i32
      %add3A_34 = arith.constant 0 : i32
      %add3A_35 = arith.addi %add3A_34, %mul3A_33 : i32
      %mul3A_36 = arith.constant 2 : i32
      %mul3A_37 = arith.muli %mul3A_36, %add3A_35 : i32
      %add3A_38 = arith.constant 1 : i32
      %add3A_39 = arith.addi %mul3A_37, %add3A_38 : i32
      %dma_start3A_40 = arith.constant 0 : i32
      %dma_start3A_41 = tpu.memref_slice %arg7[%add3A_39, %dma_start3A_40] : memref<160x125xi32, #tpu.memory_space<vmem>> -> memref<1x125xi32, #tpu.memory_space<vmem>>
      %dma_start3A_42 = tpu.memref_squeeze %dma_start3A_41 : memref<1x125xi32, #tpu.memory_space<vmem>> -> memref<125xi32, #tpu.memory_space<vmem>>
      %dma_start3A_43 = arith.constant 0 : i32
      %dma_start3A_44 = arith.constant 0 : i32
      %dma_start3A_45 = tpu.memref_slice %arg2[%arg0, %dma_start3A_43, %dma_start3A_44] : memref<2x10000x64xf32, #tpu.memory_space<hbm>> -> memref<1x10000x64xf32, #tpu.memory_space<hbm>>
      %dma_start3A_46 = tpu.memref_squeeze %dma_start3A_45 : memref<1x10000x64xf32, #tpu.memory_space<hbm>> -> memref<10000x64xf32, #tpu.memory_space<hbm>>
      %dma_start3A_47 = arith.constant 0 : i32
      %dma_start3A_48 = arith.constant 0 : i32
      %dma_start3A_49 = tpu.memref_slice %dma_start3A_46[%dma_start3A_47, %dma_start3A_48] : memref<10000x64xf32, #tpu.memory_space<hbm>> -> memref<10000x64xf32, #tpu.memory_space<hbm>>
      tpu.enqueue_indirect_dma source(%dma_start3A_49 : memref<10000x64xf32, #tpu.memory_space<hbm>>) target(%arg10 : memref<125x64xf32, #tpu.memory_space<vmem>>) offsets(%dma_start3A_42 : memref<125xi32, #tpu.memory_space<vmem>>) semaphore(%arg13 : memref<!tpu.dma_semaphore, #tpu.memory_space<semaphore_mem>>)
      %dma_wait3A = arith.constant 0 : i32
      %dma_wait3A_50 = tpu.memref_slice %arg7[%mul3A_37, %dma_wait3A] : memref<160x125xi32, #tpu.memory_space<vmem>> -> memref<1x125xi32, #tpu.memory_space<vmem>>
      %dma_wait3A_51 = tpu.memref_squeeze %dma_wait3A_50 : memref<1x125xi32, #tpu.memory_space<vmem>> -> memref<125xi32, #tpu.memory_space<vmem>>
      %dma_wait3A_52 = arith.constant 0 : i32
      %dma_wait3A_53 = arith.constant 0 : i32
      %dma_wait3A_54 = tpu.memref_slice %arg2[%arg0, %dma_wait3A_52, %dma_wait3A_53] : memref<2x10000x64xf32, #tpu.memory_space<hbm>> -> memref<1x10000x64xf32, #tpu.memory_space<hbm>>
      %dma_wait3A_55 = tpu.memref_squeeze %dma_wait3A_54 : memref<1x10000x64xf32, #tpu.memory_space<hbm>> -> memref<10000x64xf32, #tpu.memory_space<hbm>>
      %dma_wait3A_56 = arith.constant 0 : i32
      %dma_wait3A_57 = arith.constant 0 : i32
      %dma_wait3A_58 = tpu.memref_slice %dma_wait3A_55[%dma_wait3A_56, %dma_wait3A_57] : memref<10000x64xf32, #tpu.memory_space<hbm>> -> memref<10000x64xf32, #tpu.memory_space<hbm>>
      tpu.wait_indirect_dma semaphore(%arg12 : memref<!tpu.dma_semaphore, #tpu.memory_space<semaphore_mem>>) src(%dma_wait3A_58 : memref<10000x64xf32, #tpu.memory_space<hbm>>) dst(%arg9 : memref<125x64xf32, #tpu.memory_space<vmem>>)
      "tpu.region"() ({
        %run_scoped3A = tpu.sem_alloc : memref<!tpu.dma_semaphore, #tpu.memory_space<semaphore_mem>>
        %dma_start3A_79 = arith.constant 0 : i32
        %dma_start3A_80 = tpu.memref_slice %arg8[%mul3A_37, %dma_start3A_79] : memref<160x125xi32, #tpu.memory_space<vmem>> -> memref<1x125xi32, #tpu.memory_space<vmem>>
        %dma_start3A_81 = tpu.memref_squeeze %dma_start3A_80 : memref<1x125xi32, #tpu.memory_space<vmem>> -> memref<125xi32, #tpu.memory_space<vmem>>
        %dma_start3A_82 = arith.constant 0 : i32
        %dma_start3A_83 = arith.constant 0 : i32
        %dma_start3A_84 = tpu.memref_slice %arg11[%dma_start3A_82, %dma_start3A_83] : memref<10000x64xf32, #tpu.memory_space<vmem_shared>> -> memref<10000x64xf32, #tpu.memory_space<vmem_shared>>
        tpu.enqueue_indirect_dma source(%arg9 : memref<125x64xf32, #tpu.memory_space<vmem>>) target(%dma_start3A_84 : memref<10000x64xf32, #tpu.memory_space<vmem_shared>>) offsets(%dma_start3A_81 : memref<125xi32, #tpu.memory_space<vmem>>) semaphore(%run_scoped3A : memref<!tpu.dma_semaphore, #tpu.memory_space<semaphore_mem>>) {add = true}
        %dma_wait3A_85 = arith.constant 0 : i32
        %dma_wait3A_86 = tpu.memref_slice %arg8[%mul3A_37, %dma_wait3A_85] : memref<160x125xi32, #tpu.memory_space<vmem>> -> memref<1x125xi32, #tpu.memory_space<vmem>>
        %dma_wait3A_87 = tpu.memref_squeeze %dma_wait3A_86 : memref<1x125xi32, #tpu.memory_space<vmem>> -> memref<125xi32, #tpu.memory_space<vmem>>
        %dma_wait3A_88 = arith.constant 0 : i32
        %dma_wait3A_89 = arith.constant 0 : i32
        %dma_wait3A_90 = tpu.memref_slice %arg11[%dma_wait3A_88, %dma_wait3A_89] : memref<10000x64xf32, #tpu.memory_space<vmem_shared>> -> memref<10000x64xf32, #tpu.memory_space<vmem_shared>>
        tpu.wait_indirect_dma semaphore(%run_scoped3A : memref<!tpu.dma_semaphore, #tpu.memory_space<semaphore_mem>>) src(%arg9 : memref<125x64xf32, #tpu.memory_space<vmem>>) dst(%dma_wait3A_90 : memref<10000x64xf32, #tpu.memory_space<vmem_shared>>)
        tpu.yield
      }) : () -> ()
      %add3A_59 = arith.constant 2 : i32
      %add3A_60 = arith.addi %mul3A_37, %add3A_59 : i32
      %lt3A = arith.constant 160 : i32
      %lt3A_61 = arith.cmpi slt, %add3A_60, %lt3A : i32
      %convert_element_type3A_62 = arith.extui %lt3A_61 : i1 to i32
      %cond3A_63 = arith.constant 0 : i32
      %cond3A_64 = arith.cmpi ne, %convert_element_type3A_62, %cond3A_63 : i32
      scf.if %cond3A_64 {
        %add3A_79 = arith.constant 2 : i32
        %add3A_80 = arith.addi %mul3A_37, %add3A_79 : i32
        %dma_start3A_81 = arith.constant 0 : i32
        %dma_start3A_82 = tpu.memref_slice %arg7[%add3A_80, %dma_start3A_81] : memref<160x125xi32, #tpu.memory_space<vmem>> -> memref<1x125xi32, #tpu.memory_space<vmem>>
        %dma_start3A_83 = tpu.memref_squeeze %dma_start3A_82 : memref<1x125xi32, #tpu.memory_space<vmem>> -> memref<125xi32, #tpu.memory_space<vmem>>
        %dma_start3A_84 = arith.constant 0 : i32
        %dma_start3A_85 = arith.constant 0 : i32
        %dma_start3A_86 = tpu.memref_slice %arg2[%arg0, %dma_start3A_84, %dma_start3A_85] : memref<2x10000x64xf32, #tpu.memory_space<hbm>> -> memref<1x10000x64xf32, #tpu.memory_space<hbm>>
        %dma_start3A_87 = tpu.memref_squeeze %dma_start3A_86 : memref<1x10000x64xf32, #tpu.memory_space<hbm>> -> memref<10000x64xf32, #tpu.memory_space<hbm>>
        %dma_start3A_88 = arith.constant 0 : i32
        %dma_start3A_89 = arith.constant 0 : i32
        %dma_start3A_90 = tpu.memref_slice %dma_start3A_87[%dma_start3A_88, %dma_start3A_89] : memref<10000x64xf32, #tpu.memory_space<hbm>> -> memref<10000x64xf32, #tpu.memory_space<hbm>>
        tpu.enqueue_indirect_dma source(%dma_start3A_90 : memref<10000x64xf32, #tpu.memory_space<hbm>>) target(%arg9 : memref<125x64xf32, #tpu.memory_space<vmem>>) offsets(%dma_start3A_83 : memref<125xi32, #tpu.memory_space<vmem>>) semaphore(%arg12 : memref<!tpu.dma_semaphore, #tpu.memory_space<semaphore_mem>>)
      } else {
      }
      %add3A_65 = arith.constant 1 : i32
      %add3A_66 = arith.addi %mul3A_37, %add3A_65 : i32
      %dma_wait3A_67 = arith.constant 0 : i32
      %dma_wait3A_68 = tpu.memref_slice %arg7[%add3A_66, %dma_wait3A_67] : memref<160x125xi32, #tpu.memory_space<vmem>> -> memref<1x125xi32, #tpu.memory_space<vmem>>
      %dma_wait3A_69 = tpu.memref_squeeze %dma_wait3A_68 : memref<1x125xi32, #tpu.memory_space<vmem>> -> memref<125xi32, #tpu.memory_space<vmem>>
      %dma_wait3A_70 = arith.constant 0 : i32
      %dma_wait3A_71 = arith.constant 0 : i32
      %dma_wait3A_72 = tpu.memref_slice %arg2[%arg0, %dma_wait3A_70, %dma_wait3A_71] : memref<2x10000x64xf32, #tpu.memory_space<hbm>> -> memref<1x10000x64xf32, #tpu.memory_space<hbm>>
      %dma_wait3A_73 = tpu.memref_squeeze %dma_wait3A_72 : memref<1x10000x64xf32, #tpu.memory_space<hbm>> -> memref<10000x64xf32, #tpu.memory_space<hbm>>
      %dma_wait3A_74 = arith.constant 0 : i32
      %dma_wait3A_75 = arith.constant 0 : i32
      %dma_wait3A_76 = tpu.memref_slice %dma_wait3A_73[%dma_wait3A_74, %dma_wait3A_75] : memref<10000x64xf32, #tpu.memory_space<hbm>> -> memref<10000x64xf32, #tpu.memory_space<hbm>>
      tpu.wait_indirect_dma semaphore(%arg13 : memref<!tpu.dma_semaphore, #tpu.memory_space<semaphore_mem>>) src(%dma_wait3A_76 : memref<10000x64xf32, #tpu.memory_space<hbm>>) dst(%arg10 : memref<125x64xf32, #tpu.memory_space<vmem>>)
      %add3A_77 = arith.constant 1 : i32
      %add3A_78 = arith.addi %mul3A_37, %add3A_77 : i32
      "tpu.region"() ({
        %run_scoped3A = tpu.sem_alloc : memref<!tpu.dma_semaphore, #tpu.memory_space<semaphore_mem>>
        %dma_start3A_79 = arith.constant 0 : i32
        %dma_start3A_80 = tpu.memref_slice %arg8[%add3A_78, %dma_start3A_79] : memref<160x125xi32, #tpu.memory_space<vmem>> -> memref<1x125xi32, #tpu.memory_space<vmem>>
        %dma_start3A_81 = tpu.memref_squeeze %dma_start3A_80 : memref<1x125xi32, #tpu.memory_space<vmem>> -> memref<125xi32, #tpu.memory_space<vmem>>
        %dma_start3A_82 = arith.constant 0 : i32
        %dma_start3A_83 = arith.constant 0 : i32
        %dma_start3A_84 = tpu.memref_slice %arg11[%dma_start3A_82, %dma_start3A_83] : memref<10000x64xf32, #tpu.memory_space<vmem_shared>> -> memref<10000x64xf32, #tpu.memory_space<vmem_shared>>
        tpu.enqueue_indirect_dma source(%arg10 : memref<125x64xf32, #tpu.memory_space<vmem>>) target(%dma_start3A_84 : memref<10000x64xf32, #tpu.memory_space<vmem_shared>>) offsets(%dma_start3A_81 : memref<125xi32, #tpu.memory_space<vmem>>) semaphore(%run_scoped3A : memref<!tpu.dma_semaphore, #tpu.memory_space<semaphore_mem>>) {add = true}
        %dma_wait3A_85 = arith.constant 0 : i32
        %dma_wait3A_86 = tpu.memref_slice %arg8[%add3A_78, %dma_wait3A_85] : memref<160x125xi32, #tpu.memory_space<vmem>> -> memref<1x125xi32, #tpu.memory_space<vmem>>
        %dma_wait3A_87 = tpu.memref_squeeze %dma_wait3A_86 : memref<1x125xi32, #tpu.memory_space<vmem>> -> memref<125xi32, #tpu.memory_space<vmem>>
        %dma_wait3A_88 = arith.constant 0 : i32
        %dma_wait3A_89 = arith.constant 0 : i32
        %dma_wait3A_90 = tpu.memref_slice %arg11[%dma_wait3A_88, %dma_wait3A_89] : memref<10000x64xf32, #tpu.memory_space<vmem_shared>> -> memref<10000x64xf32, #tpu.memory_space<vmem_shared>>
        tpu.wait_indirect_dma semaphore(%run_scoped3A : memref<!tpu.dma_semaphore, #tpu.memory_space<semaphore_mem>>) src(%arg10 : memref<125x64xf32, #tpu.memory_space<vmem>>) dst(%dma_wait3A_90 : memref<10000x64xf32, #tpu.memory_space<vmem_shared>>)
        tpu.yield
      }) : () -> ()
    }
    %scan3A_18 = arith.constant 80 : i32
    %barrier3A_19 = arith.constant 0 : index
    tpu.barrier barrier_id(%barrier3A_19)
    %mul3A_20 = arith.constant 624 : i32
    %mul3A_21 = arith.muli %arg1, %mul3A_20 : i32
    %mul3A_22 = arith.constant 10000 : i32
    %mul3A_23 = arith.muli %arg0, %mul3A_22 : i32
    %mul3A_24 = arith.constant 624 : i32
    %mul3A_25 = arith.muli %arg1, %mul3A_24 : i32
    %add3A = arith.addi %mul3A_23, %mul3A_25 : i32
    "tpu.region"() ({
      %run_scoped3A = tpu.sem_alloc : memref<!tpu.dma_semaphore, #tpu.memory_space<semaphore_mem>>
      %dma_start3A_31 = arith.constant 0 : i32
      %dma_start3A_32 = tpu.memref_slice %arg6[%add3A, %dma_start3A_31] : memref<20000x64xf32, #tpu.memory_space<hbm>> -> memref<624x64xf32, #tpu.memory_space<hbm>>
      %dma_start3A_33 = arith.constant 0 : i32
      %dma_start3A_34 = tpu.memref_slice %arg11[%mul3A_21, %dma_start3A_33] : memref<10000x64xf32, #tpu.memory_space<vmem_shared>> -> memref<624x64xf32, #tpu.memory_space<vmem_shared>>
      tpu.enqueue_dma source(%dma_start3A_34 : memref<624x64xf32, #tpu.memory_space<vmem_shared>>) target(%dma_start3A_32 : memref<624x64xf32, #tpu.memory_space<hbm>>) target_semaphore(%run_scoped3A : memref<!tpu.dma_semaphore, #tpu.memory_space<semaphore_mem>>)
      %dma_wait3A = arith.constant 0 : i32
      %dma_wait3A_35 = tpu.memref_slice %arg6[%add3A, %dma_wait3A] : memref<20000x64xf32, #tpu.memory_space<hbm>> -> memref<624x64xf32, #tpu.memory_space<hbm>>
      %dma_wait3A_36 = arith.constant 0 : i32
      %dma_wait3A_37 = tpu.memref_slice %arg11[%mul3A_21, %dma_wait3A_36] : memref<10000x64xf32, #tpu.memory_space<vmem_shared>> -> memref<624x64xf32, #tpu.memory_space<vmem_shared>>
      tpu.wait_dma2 semaphore(%run_scoped3A : memref<!tpu.dma_semaphore, #tpu.memory_space<semaphore_mem>>) src(%dma_wait3A_37 : memref<624x64xf32, #tpu.memory_space<vmem_shared>>) dst(%dma_wait3A_35 : memref<624x64xf32, #tpu.memory_space<hbm>>)
      tpu.yield
    }) : () -> ()
    %eq3A_26 = arith.constant 0 : i32
    %eq3A_27 = arith.cmpi eq, %arg1, %eq3A_26 : i32
    %convert_element_type3A_28 = arith.extui %eq3A_27 : i1 to i32
    %cond3A_29 = arith.constant 0 : i32
    %cond3A_30 = arith.cmpi ne, %convert_element_type3A_28, %cond3A_29 : i32
    scf.if %cond3A_30 {
      %mul3A_31 = arith.constant 10000 : i32
      %mul3A_32 = arith.muli %arg0, %mul3A_31 : i32
      %add3A_33 = arith.constant 9984 : i32
      %add3A_34 = arith.addi %mul3A_32, %add3A_33 : i32
      "tpu.region"() ({
        %run_scoped3A = tpu.sem_alloc : memref<!tpu.dma_semaphore, #tpu.memory_space<semaphore_mem>>
        %dma_start3A_35 = arith.constant 0 : i32
        %dma_start3A_36 = tpu.memref_slice %arg6[%add3A_34, %dma_start3A_35] : memref<20000x64xf32, #tpu.memory_space<hbm>> -> memref<16x64xf32, #tpu.memory_space<hbm>>
        %dma_start3A_37 = arith.constant 9984 : i32
        %dma_start3A_38 = arith.constant 0 : i32
        %dma_start3A_39 = tpu.memref_slice %arg11[%dma_start3A_37, %dma_start3A_38] : memref<10000x64xf32, #tpu.memory_space<vmem_shared>> -> memref<16x64xf32, #tpu.memory_space<vmem_shared>>
        tpu.enqueue_dma source(%dma_start3A_39 : memref<16x64xf32, #tpu.memory_space<vmem_shared>>) target(%dma_start3A_36 : memref<16x64xf32, #tpu.memory_space<hbm>>) target_semaphore(%run_scoped3A : memref<!tpu.dma_semaphore, #tpu.memory_space<semaphore_mem>>)
        %dma_wait3A = arith.constant 0 : i32
        %dma_wait3A_40 = tpu.memref_slice %arg6[%add3A_34, %dma_wait3A] : memref<20000x64xf32, #tpu.memory_space<hbm>> -> memref<16x64xf32, #tpu.memory_space<hbm>>
        %dma_wait3A_41 = arith.constant 9984 : i32
        %dma_wait3A_42 = arith.constant 0 : i32
        %dma_wait3A_43 = tpu.memref_slice %arg11[%dma_wait3A_41, %dma_wait3A_42] : memref<10000x64xf32, #tpu.memory_space<vmem_shared>> -> memref<16x64xf32, #tpu.memory_space<vmem_shared>>
        tpu.wait_dma2 semaphore(%run_scoped3A : memref<!tpu.dma_semaphore, #tpu.memory_space<semaphore_mem>>) src(%dma_wait3A_43 : memref<16x64xf32, #tpu.memory_space<vmem_shared>>) dst(%dma_wait3A_40 : memref<16x64xf32, #tpu.memory_space<hbm>>)
        tpu.yield
      }) : () -> ()
    } else {
    }
    return
  }
}

#map = affine_map<(d0, d1) -> (0, 0, 0)>
#map1 = affine_map<(d0, d1) -> (0, 0)>
module attributes {stable_mosaic.version = 14 : i64} {
  func.func @k(%arg0: i32, %arg1: i32, %arg2: memref<2x10000x64xf32, #tpu.memory_space<hbm>>, %arg3: memref<16x160x125xi32, #tpu.memory_space<hbm>>, %arg4: memref<16x160x125xi32, #tpu.memory_space<hbm>>, %arg5: memref<10000x64xf32, #tpu.memory_space<hbm>>, %arg6: memref<20000x64xf32, #tpu.memory_space<hbm>>, %arg7: memref<160x125xi32, #tpu.memory_space<vmem>>, %arg8: memref<160x125xi32, #tpu.memory_space<vmem>>, %arg9: memref<125x64xf32, #tpu.memory_space<vmem>>, %arg10: memref<125x64xf32, #tpu.memory_space<vmem>>, %arg11: memref<10000x64xf32, #tpu.memory_space<vmem_shared>>, %arg12: memref<!tpu.dma_semaphore, #tpu.memory_space<semaphore_mem>>, %arg13: memref<!tpu.dma_semaphore, #tpu.memory_space<semaphore_mem>>) attributes {dimension_semantics = [#tpu.dimension_semantics<core_parallel>, #tpu.dimension_semantics<subcore_parallel>], iteration_bounds = array<i64: 2, 16>, scalar_prefetch = 0 : i64, scratch_operands = 7 : i64, tpu.core_type = #tpu.core_type<sc_vector_subcore>, window_params = [{transform_indices = #map}, {transform_indices = #map}, {transform_indices = #map}, {transform_indices = #map1}, {transform_indices = #map1}]} {
    %mul3A = arith.constant 624 : i32
    %mul3A_0 = arith.muli %arg1, %mul3A : i32
    %mul3A_1 = arith.constant 624 : i32
    %mul3A_2 = arith.muli %arg1, %mul3A_1 : i32
    "tpu.region"() ({
      %run_scoped3A = tpu.sem_alloc : memref<!tpu.dma_semaphore, #tpu.memory_space<semaphore_mem>>
      %dma_start3A_31 = arith.constant 0 : i32
      %dma_start3A_32 = tpu.memref_slice %arg11[%mul3A_2, %dma_start3A_31] : memref<10000x64xf32, #tpu.memory_space<vmem_shared>> -> memref<624x64xf32, #tpu.memory_space<vmem_shared>>
      %dma_start3A_33 = arith.constant 0 : i32
      %dma_start3A_34 = tpu.memref_slice %arg5[%mul3A_0, %dma_start3A_33] : memref<10000x64xf32, #tpu.memory_space<hbm>> -> memref<624x64xf32, #tpu.memory_space<hbm>>
      tpu.enqueue_dma source(%dma_start3A_34 : memref<624x64xf32, #tpu.memory_space<hbm>>) target(%dma_start3A_32 : memref<624x64xf32, #tpu.memory_space<vmem_shared>>) target_semaphore(%run_scoped3A : memref<!tpu.dma_semaphore, #tpu.memory_space<semaphore_mem>>)
      %dma_wait3A = arith.constant 0 : i32
      %dma_wait3A_35 = tpu.memref_slice %arg11[%mul3A_2, %dma_wait3A] : memref<10000x64xf32, #tpu.memory_space<vmem_shared>> -> memref<624x64xf32, #tpu.memory_space<vmem_shared>>
      %dma_wait3A_36 = arith.constant 0 : i32
      %dma_wait3A_37 = tpu.memref_slice %arg5[%mul3A_0, %dma_wait3A_36] : memref<10000x64xf32, #tpu.memory_space<hbm>> -> memref<624x64xf32, #tpu.memory_space<hbm>>
      tpu.wait_dma2 semaphore(%run_scoped3A : memref<!tpu.dma_semaphore, #tpu.memory_space<semaphore_mem>>) src(%dma_wait3A_37 : memref<624x64xf32, #tpu.memory_space<hbm>>) dst(%dma_wait3A_35 : memref<624x64xf32, #tpu.memory_space<vmem_shared>>)
      tpu.yield
    }) : () -> ()
    %eq3A = arith.constant 0 : i32
    %eq3A_3 = arith.cmpi eq, %arg1, %eq3A : i32
    %convert_element_type3A = arith.extui %eq3A_3 : i1 to i32
    %cond3A = arith.constant 0 : i32
    %cond3A_4 = arith.cmpi ne, %convert_element_type3A, %cond3A : i32
    scf.if %cond3A_4 {
      "tpu.region"() ({
        %run_scoped3A = tpu.sem_alloc : memref<!tpu.dma_semaphore, #tpu.memory_space<semaphore_mem>>
        %dma_start3A_31 = arith.constant 9984 : i32
        %dma_start3A_32 = arith.constant 0 : i32
        %dma_start3A_33 = tpu.memref_slice %arg11[%dma_start3A_31, %dma_start3A_32] : memref<10000x64xf32, #tpu.memory_space<vmem_shared>> -> memref<16x64xf32, #tpu.memory_space<vmem_shared>>
        %dma_start3A_34 = arith.constant 9984 : i32
        %dma_start3A_35 = arith.constant 0 : i32
        %dma_start3A_36 = tpu.memref_slice %arg5[%dma_start3A_34, %dma_start3A_35] : memref<10000x64xf32, #tpu.memory_space<hbm>> -> memref<16x64xf32, #tpu.memory_space<hbm>>
        tpu.enqueue_dma source(%dma_start3A_36 : memref<16x64xf32, #tpu.memory_space<hbm>>) target(%dma_start3A_33 : memref<16x64xf32, #tpu.memory_space<vmem_shared>>) target_semaphore(%run_scoped3A : memref<!tpu.dma_semaphore, #tpu.memory_space<semaphore_mem>>)
        %dma_wait3A = arith.constant 9984 : i32
        %dma_wait3A_37 = arith.constant 0 : i32
        %dma_wait3A_38 = tpu.memref_slice %arg11[%dma_wait3A, %dma_wait3A_37] : memref<10000x64xf32, #tpu.memory_space<vmem_shared>> -> memref<16x64xf32, #tpu.memory_space<vmem_shared>>
        %dma_wait3A_39 = arith.constant 9984 : i32
        %dma_wait3A_40 = arith.constant 0 : i32
        %dma_wait3A_41 = tpu.memref_slice %arg5[%dma_wait3A_39, %dma_wait3A_40] : memref<10000x64xf32, #tpu.memory_space<hbm>> -> memref<16x64xf32, #tpu.memory_space<hbm>>
        tpu.wait_dma2 semaphore(%run_scoped3A : memref<!tpu.dma_semaphore, #tpu.memory_space<semaphore_mem>>) src(%dma_wait3A_41 : memref<16x64xf32, #tpu.memory_space<hbm>>) dst(%dma_wait3A_38 : memref<16x64xf32, #tpu.memory_space<vmem_shared>>)
        tpu.yield
      }) : () -> ()
    } else {
    }
    "tpu.region"() ({
      %run_scoped3A = tpu.sem_alloc : memref<!tpu.dma_semaphore, #tpu.memory_space<semaphore_mem>>
      %dma_start3A_31 = arith.constant 0 : i32
      %dma_start3A_32 = arith.constant 0 : i32
      %dma_start3A_33 = tpu.memref_slice %arg3[%arg1, %dma_start3A_31, %dma_start3A_32] : memref<16x160x125xi32, #tpu.memory_space<hbm>> -> memref<1x160x125xi32, #tpu.memory_space<hbm>>
      %dma_start3A_34 = tpu.memref_squeeze %dma_start3A_33 : memref<1x160x125xi32, #tpu.memory_space<hbm>> -> memref<160x125xi32, #tpu.memory_space<hbm>>
      %dma_start3A_35 = arith.constant 0 : i32
      %dma_start3A_36 = arith.constant 0 : i32
      %dma_start3A_37 = tpu.memref_slice %arg3[%arg1, %dma_start3A_35, %dma_start3A_36] : memref<16x160x125xi32, #tpu.memory_space<hbm>> -> memref<1x160x125xi32, #tpu.memory_space<hbm>>
      %dma_start3A_38 = tpu.memref_squeeze %dma_start3A_37 : memref<1x160x125xi32, #tpu.memory_space<hbm>> -> memref<160x125xi32, #tpu.memory_space<hbm>>
      tpu.enqueue_dma source(%dma_start3A_38 : memref<160x125xi32, #tpu.memory_space<hbm>>) target(%arg7 : memref<160x125xi32, #tpu.memory_space<vmem>>) target_semaphore(%run_scoped3A : memref<!tpu.dma_semaphore, #tpu.memory_space<semaphore_mem>>)
      %dma_wait3A = arith.constant 0 : i32
      %dma_wait3A_39 = arith.constant 0 : i32
      %dma_wait3A_40 = tpu.memref_slice %arg3[%arg1, %dma_wait3A, %dma_wait3A_39] : memref<16x160x125xi32, #tpu.memory_space<hbm>> -> memref<1x160x125xi32, #tpu.memory_space<hbm>>
      %dma_wait3A_41 = tpu.memref_squeeze %dma_wait3A_40 : memref<1x160x125xi32, #tpu.memory_space<hbm>> -> memref<160x125xi32, #tpu.memory_space<hbm>>
      %dma_wait3A_42 = arith.constant 0 : i32
      %dma_wait3A_43 = arith.constant 0 : i32
      %dma_wait3A_44 = tpu.memref_slice %arg3[%arg1, %dma_wait3A_42, %dma_wait3A_43] : memref<16x160x125xi32, #tpu.memory_space<hbm>> -> memref<1x160x125xi32, #tpu.memory_space<hbm>>
      %dma_wait3A_45 = tpu.memref_squeeze %dma_wait3A_44 : memref<1x160x125xi32, #tpu.memory_space<hbm>> -> memref<160x125xi32, #tpu.memory_space<hbm>>
      tpu.wait_dma2 semaphore(%run_scoped3A : memref<!tpu.dma_semaphore, #tpu.memory_space<semaphore_mem>>) src(%dma_wait3A_45 : memref<160x125xi32, #tpu.memory_space<hbm>>) dst(%arg7 : memref<160x125xi32, #tpu.memory_space<vmem>>)
      tpu.yield
    }) : () -> ()
    "tpu.region"() ({
      %run_scoped3A = tpu.sem_alloc : memref<!tpu.dma_semaphore, #tpu.memory_space<semaphore_mem>>
      %dma_start3A_31 = arith.constant 0 : i32
      %dma_start3A_32 = arith.constant 0 : i32
      %dma_start3A_33 = tpu.memref_slice %arg4[%arg1, %dma_start3A_31, %dma_start3A_32] : memref<16x160x125xi32, #tpu.memory_space<hbm>> -> memref<1x160x125xi32, #tpu.memory_space<hbm>>
      %dma_start3A_34 = tpu.memref_squeeze %dma_start3A_33 : memref<1x160x125xi32, #tpu.memory_space<hbm>> -> memref<160x125xi32, #tpu.memory_space<hbm>>
      %dma_start3A_35 = arith.constant 0 : i32
      %dma_start3A_36 = arith.constant 0 : i32
      %dma_start3A_37 = tpu.memref_slice %arg4[%arg1, %dma_start3A_35, %dma_start3A_36] : memref<16x160x125xi32, #tpu.memory_space<hbm>> -> memref<1x160x125xi32, #tpu.memory_space<hbm>>
      %dma_start3A_38 = tpu.memref_squeeze %dma_start3A_37 : memref<1x160x125xi32, #tpu.memory_space<hbm>> -> memref<160x125xi32, #tpu.memory_space<hbm>>
      tpu.enqueue_dma source(%dma_start3A_38 : memref<160x125xi32, #tpu.memory_space<hbm>>) target(%arg8 : memref<160x125xi32, #tpu.memory_space<vmem>>) target_semaphore(%run_scoped3A : memref<!tpu.dma_semaphore, #tpu.memory_space<semaphore_mem>>)
      %dma_wait3A = arith.constant 0 : i32
      %dma_wait3A_39 = arith.constant 0 : i32
      %dma_wait3A_40 = tpu.memref_slice %arg4[%arg1, %dma_wait3A, %dma_wait3A_39] : memref<16x160x125xi32, #tpu.memory_space<hbm>> -> memref<1x160x125xi32, #tpu.memory_space<hbm>>
      %dma_wait3A_41 = tpu.memref_squeeze %dma_wait3A_40 : memref<1x160x125xi32, #tpu.memory_space<hbm>> -> memref<160x125xi32, #tpu.memory_space<hbm>>
      %dma_wait3A_42 = arith.constant 0 : i32
      %dma_wait3A_43 = arith.constant 0 : i32
      %dma_wait3A_44 = tpu.memref_slice %arg4[%arg1, %dma_wait3A_42, %dma_wait3A_43] : memref<16x160x125xi32, #tpu.memory_space<hbm>> -> memref<1x160x125xi32, #tpu.memory_space<hbm>>
      %dma_wait3A_45 = tpu.memref_squeeze %dma_wait3A_44 : memref<1x160x125xi32, #tpu.memory_space<hbm>> -> memref<160x125xi32, #tpu.memory_space<hbm>>
      tpu.wait_dma2 semaphore(%run_scoped3A : memref<!tpu.dma_semaphore, #tpu.memory_space<semaphore_mem>>) src(%dma_wait3A_45 : memref<160x125xi32, #tpu.memory_space<hbm>>) dst(%arg8 : memref<160x125xi32, #tpu.memory_space<vmem>>)
      tpu.yield
    }) : () -> ()
    %barrier3A = arith.constant 0 : index
    tpu.barrier barrier_id(%barrier3A)
    %dma_start3A = arith.constant 0 : i32
    %dma_start3A_5 = arith.constant 0 : i32
    %dma_start3A_6 = tpu.memref_slice %arg7[%dma_start3A, %dma_start3A_5] : memref<160x125xi32, #tpu.memory_space<vmem>> -> memref<1x125xi32, #tpu.memory_space<vmem>>
    %dma_start3A_7 = tpu.memref_squeeze %dma_start3A_6 : memref<1x125xi32, #tpu.memory_space<vmem>> -> memref<125xi32, #tpu.memory_space<vmem>>
    %dma_start3A_8 = arith.constant 0 : i32
    %dma_start3A_9 = arith.constant 0 : i32
    %dma_start3A_10 = tpu.memref_slice %arg2[%arg0, %dma_start3A_8, %dma_start3A_9] : memref<2x10000x64xf32, #tpu.memory_space<hbm>> -> memref<1x10000x64xf32, #tpu.memory_space<hbm>>
    %dma_start3A_11 = tpu.memref_squeeze %dma_start3A_10 : memref<1x10000x64xf32, #tpu.memory_space<hbm>> -> memref<10000x64xf32, #tpu.memory_space<hbm>>
    %dma_start3A_12 = arith.constant 0 : i32
    %dma_start3A_13 = arith.constant 0 : i32
    %dma_start3A_14 = tpu.memref_slice %dma_start3A_11[%dma_start3A_12, %dma_start3A_13] : memref<10000x64xf32, #tpu.memory_space<hbm>> -> memref<10000x64xf32, #tpu.memory_space<hbm>>
    tpu.enqueue_indirect_dma source(%dma_start3A_14 : memref<10000x64xf32, #tpu.memory_space<hbm>>) target(%arg9 : memref<125x64xf32, #tpu.memory_space<vmem>>) offsets(%dma_start3A_7 : memref<125xi32, #tpu.memory_space<vmem>>) semaphore(%arg12 : memref<!tpu.dma_semaphore, #tpu.memory_space<semaphore_mem>>)
    %scan3A = arith.constant 0 : i32
    %scan3A_15 = arith.constant 80 : i32
    %scan3A_16 = arith.addi %scan3A, %scan3A_15 : i32
    %scan3A_17 = arith.constant 1 : i32
    scf.for %scan3A_31 = %scan3A to %scan3A_16 step %scan3A_17  : i32 {
      %mul3A_32 = arith.constant 1 : i32
      %mul3A_33 = arith.muli %scan3A_31, %mul3A_32 : i32
      %add3A_34 = arith.constant 0 : i32
      %add3A_35 = arith.addi %add3A_34, %mul3A_33 : i32
      %mul3A_36 = arith.constant 2 : i32
      %mul3A_37 = arith.muli %mul3A_36, %add3A_35 : i32
      %add3A_38 = arith.constant 1 : i32
      %add3A_39 = arith.addi %mul3A_37, %add3A_38 : i32
      %dma_start3A_40 = arith.constant 0 : i32
      %dma_start3A_41 = tpu.memref_slice %arg7[%add3A_39, %dma_start3A_40] : memref<160x125xi32, #tpu.memory_space<vmem>> -> memref<1x125xi32, #tpu.memory_space<vmem>>
      %dma_start3A_42 = tpu.memref_squeeze %dma_start3A_41 : memref<1x125xi32, #tpu.memory_space<vmem>> -> memref<125xi32, #tpu.memory_space<vmem>>
      %dma_start3A_43 = arith.constant 0 : i32
      %dma_start3A_44 = arith.constant 0 : i32
      %dma_start3A_45 = tpu.memref_slice %arg2[%arg0, %dma_start3A_43, %dma_start3A_44] : memref<2x10000x64xf32, #tpu.memory_space<hbm>> -> memref<1x10000x64xf32, #tpu.memory_space<hbm>>
      %dma_start3A_46 = tpu.memref_squeeze %dma_start3A_45 : memref<1x10000x64xf32, #tpu.memory_space<hbm>> -> memref<10000x64xf32, #tpu.memory_space<hbm>>
      %dma_start3A_47 = arith.constant 0 : i32
      %dma_start3A_48 = arith.constant 0 : i32
      %dma_start3A_49 = tpu.memref_slice %dma_start3A_46[%dma_start3A_47, %dma_start3A_48] : memref<10000x64xf32, #tpu.memory_space<hbm>> -> memref<10000x64xf32, #tpu.memory_space<hbm>>
      tpu.enqueue_indirect_dma source(%dma_start3A_49 : memref<10000x64xf32, #tpu.memory_space<hbm>>) target(%arg10 : memref<125x64xf32, #tpu.memory_space<vmem>>) offsets(%dma_start3A_42 : memref<125xi32, #tpu.memory_space<vmem>>) semaphore(%arg13 : memref<!tpu.dma_semaphore, #tpu.memory_space<semaphore_mem>>)
      %dma_wait3A = arith.constant 0 : i32
      %dma_wait3A_50 = tpu.memref_slice %arg7[%mul3A_37, %dma_wait3A] : memref<160x125xi32, #tpu.memory_space<vmem>> -> memref<1x125xi32, #tpu.memory_space<vmem>>
      %dma_wait3A_51 = tpu.memref_squeeze %dma_wait3A_50 : memref<1x125xi32, #tpu.memory_space<vmem>> -> memref<125xi32, #tpu.memory_space<vmem>>
      %dma_wait3A_52 = arith.constant 0 : i32
      %dma_wait3A_53 = arith.constant 0 : i32
      %dma_wait3A_54 = tpu.memref_slice %arg2[%arg0, %dma_wait3A_52, %dma_wait3A_53] : memref<2x10000x64xf32, #tpu.memory_space<hbm>> -> memref<1x10000x64xf32, #tpu.memory_space<hbm>>
      %dma_wait3A_55 = tpu.memref_squeeze %dma_wait3A_54 : memref<1x10000x64xf32, #tpu.memory_space<hbm>> -> memref<10000x64xf32, #tpu.memory_space<hbm>>
      %dma_wait3A_56 = arith.constant 0 : i32
      %dma_wait3A_57 = arith.constant 0 : i32
      %dma_wait3A_58 = tpu.memref_slice %dma_wait3A_55[%dma_wait3A_56, %dma_wait3A_57] : memref<10000x64xf32, #tpu.memory_space<hbm>> -> memref<10000x64xf32, #tpu.memory_space<hbm>>
      tpu.wait_indirect_dma semaphore(%arg12 : memref<!tpu.dma_semaphore, #tpu.memory_space<semaphore_mem>>) src(%dma_wait3A_58 : memref<10000x64xf32, #tpu.memory_space<hbm>>) dst(%arg9 : memref<125x64xf32, #tpu.memory_space<vmem>>)
      "tpu.region"() ({
        %run_scoped3A = tpu.sem_alloc : memref<!tpu.dma_semaphore, #tpu.memory_space<semaphore_mem>>
        %dma_start3A_79 = arith.constant 0 : i32
        %dma_start3A_80 = tpu.memref_slice %arg8[%mul3A_37, %dma_start3A_79] : memref<160x125xi32, #tpu.memory_space<vmem>> -> memref<1x125xi32, #tpu.memory_space<vmem>>
        %dma_start3A_81 = tpu.memref_squeeze %dma_start3A_80 : memref<1x125xi32, #tpu.memory_space<vmem>> -> memref<125xi32, #tpu.memory_space<vmem>>
        %dma_start3A_82 = arith.constant 0 : i32
        %dma_start3A_83 = arith.constant 0 : i32
        %dma_start3A_84 = tpu.memref_slice %arg11[%dma_start3A_82, %dma_start3A_83] : memref<10000x64xf32, #tpu.memory_space<vmem_shared>> -> memref<10000x64xf32, #tpu.memory_space<vmem_shared>>
        tpu.enqueue_indirect_dma source(%arg9 : memref<125x64xf32, #tpu.memory_space<vmem>>) target(%dma_start3A_84 : memref<10000x64xf32, #tpu.memory_space<vmem_shared>>) offsets(%dma_start3A_81 : memref<125xi32, #tpu.memory_space<vmem>>) semaphore(%run_scoped3A : memref<!tpu.dma_semaphore, #tpu.memory_space<semaphore_mem>>) {add = true}
        %dma_wait3A_85 = arith.constant 0 : i32
        %dma_wait3A_86 = tpu.memref_slice %arg8[%mul3A_37, %dma_wait3A_85] : memref<160x125xi32, #tpu.memory_space<vmem>> -> memref<1x125xi32, #tpu.memory_space<vmem>>
        %dma_wait3A_87 = tpu.memref_squeeze %dma_wait3A_86 : memref<1x125xi32, #tpu.memory_space<vmem>> -> memref<125xi32, #tpu.memory_space<vmem>>
        %dma_wait3A_88 = arith.constant 0 : i32
        %dma_wait3A_89 = arith.constant 0 : i32
        %dma_wait3A_90 = tpu.memref_slice %arg11[%dma_wait3A_88, %dma_wait3A_89] : memref<10000x64xf32, #tpu.memory_space<vmem_shared>> -> memref<10000x64xf32, #tpu.memory_space<vmem_shared>>
        tpu.wait_indirect_dma semaphore(%run_scoped3A : memref<!tpu.dma_semaphore, #tpu.memory_space<semaphore_mem>>) src(%arg9 : memref<125x64xf32, #tpu.memory_space<vmem>>) dst(%dma_wait3A_90 : memref<10000x64xf32, #tpu.memory_space<vmem_shared>>)
        tpu.yield
      }) : () -> ()
      %add3A_59 = arith.constant 2 : i32
      %add3A_60 = arith.addi %mul3A_37, %add3A_59 : i32
      %lt3A = arith.constant 160 : i32
      %lt3A_61 = arith.cmpi slt, %add3A_60, %lt3A : i32
      %convert_element_type3A_62 = arith.extui %lt3A_61 : i1 to i32
      %cond3A_63 = arith.constant 0 : i32
      %cond3A_64 = arith.cmpi ne, %convert_element_type3A_62, %cond3A_63 : i32
      scf.if %cond3A_64 {
        %add3A_79 = arith.constant 2 : i32
        %add3A_80 = arith.addi %mul3A_37, %add3A_79 : i32
        %dma_start3A_81 = arith.constant 0 : i32
        %dma_start3A_82 = tpu.memref_slice %arg7[%add3A_80, %dma_start3A_81] : memref<160x125xi32, #tpu.memory_space<vmem>> -> memref<1x125xi32, #tpu.memory_space<vmem>>
        %dma_start3A_83 = tpu.memref_squeeze %dma_start3A_82 : memref<1x125xi32, #tpu.memory_space<vmem>> -> memref<125xi32, #tpu.memory_space<vmem>>
        %dma_start3A_84 = arith.constant 0 : i32
        %dma_start3A_85 = arith.constant 0 : i32
        %dma_start3A_86 = tpu.memref_slice %arg2[%arg0, %dma_start3A_84, %dma_start3A_85] : memref<2x10000x64xf32, #tpu.memory_space<hbm>> -> memref<1x10000x64xf32, #tpu.memory_space<hbm>>
        %dma_start3A_87 = tpu.memref_squeeze %dma_start3A_86 : memref<1x10000x64xf32, #tpu.memory_space<hbm>> -> memref<10000x64xf32, #tpu.memory_space<hbm>>
        %dma_start3A_88 = arith.constant 0 : i32
        %dma_start3A_89 = arith.constant 0 : i32
        %dma_start3A_90 = tpu.memref_slice %dma_start3A_87[%dma_start3A_88, %dma_start3A_89] : memref<10000x64xf32, #tpu.memory_space<hbm>> -> memref<10000x64xf32, #tpu.memory_space<hbm>>
        tpu.enqueue_indirect_dma source(%dma_start3A_90 : memref<10000x64xf32, #tpu.memory_space<hbm>>) target(%arg9 : memref<125x64xf32, #tpu.memory_space<vmem>>) offsets(%dma_start3A_83 : memref<125xi32, #tpu.memory_space<vmem>>) semaphore(%arg12 : memref<!tpu.dma_semaphore, #tpu.memory_space<semaphore_mem>>)
      } else {
      }
      %add3A_65 = arith.constant 1 : i32
      %add3A_66 = arith.addi %mul3A_37, %add3A_65 : i32
      %dma_wait3A_67 = arith.constant 0 : i32
      %dma_wait3A_68 = tpu.memref_slice %arg7[%add3A_66, %dma_wait3A_67] : memref<160x125xi32, #tpu.memory_space<vmem>> -> memref<1x125xi32, #tpu.memory_space<vmem>>
      %dma_wait3A_69 = tpu.memref_squeeze %dma_wait3A_68 : memref<1x125xi32, #tpu.memory_space<vmem>> -> memref<125xi32, #tpu.memory_space<vmem>>
      %dma_wait3A_70 = arith.constant 0 : i32
      %dma_wait3A_71 = arith.constant 0 : i32
      %dma_wait3A_72 = tpu.memref_slice %arg2[%arg0, %dma_wait3A_70, %dma_wait3A_71] : memref<2x10000x64xf32, #tpu.memory_space<hbm>> -> memref<1x10000x64xf32, #tpu.memory_space<hbm>>
      %dma_wait3A_73 = tpu.memref_squeeze %dma_wait3A_72 : memref<1x10000x64xf32, #tpu.memory_space<hbm>> -> memref<10000x64xf32, #tpu.memory_space<hbm>>
      %dma_wait3A_74 = arith.constant 0 : i32
      %dma_wait3A_75 = arith.constant 0 : i32
      %dma_wait3A_76 = tpu.memref_slice %dma_wait3A_73[%dma_wait3A_74, %dma_wait3A_75] : memref<10000x64xf32, #tpu.memory_space<hbm>> -> memref<10000x64xf32, #tpu.memory_space<hbm>>
      tpu.wait_indirect_dma semaphore(%arg13 : memref<!tpu.dma_semaphore, #tpu.memory_space<semaphore_mem>>) src(%dma_wait3A_76 : memref<10000x64xf32, #tpu.memory_space<hbm>>) dst(%arg10 : memref<125x64xf32, #tpu.memory_space<vmem>>)
      %add3A_77 = arith.constant 1 : i32
      %add3A_78 = arith.addi %mul3A_37, %add3A_77 : i32
      "tpu.region"() ({
        %run_scoped3A = tpu.sem_alloc : memref<!tpu.dma_semaphore, #tpu.memory_space<semaphore_mem>>
        %dma_start3A_79 = arith.constant 0 : i32
        %dma_start3A_80 = tpu.memref_slice %arg8[%add3A_78, %dma_start3A_79] : memref<160x125xi32, #tpu.memory_space<vmem>> -> memref<1x125xi32, #tpu.memory_space<vmem>>
        %dma_start3A_81 = tpu.memref_squeeze %dma_start3A_80 : memref<1x125xi32, #tpu.memory_space<vmem>> -> memref<125xi32, #tpu.memory_space<vmem>>
        %dma_start3A_82 = arith.constant 0 : i32
        %dma_start3A_83 = arith.constant 0 : i32
        %dma_start3A_84 = tpu.memref_slice %arg11[%dma_start3A_82, %dma_start3A_83] : memref<10000x64xf32, #tpu.memory_space<vmem_shared>> -> memref<10000x64xf32, #tpu.memory_space<vmem_shared>>
        tpu.enqueue_indirect_dma source(%arg10 : memref<125x64xf32, #tpu.memory_space<vmem>>) target(%dma_start3A_84 : memref<10000x64xf32, #tpu.memory_space<vmem_shared>>) offsets(%dma_start3A_81 : memref<125xi32, #tpu.memory_space<vmem>>) semaphore(%run_scoped3A : memref<!tpu.dma_semaphore, #tpu.memory_space<semaphore_mem>>) {add = true}
        %dma_wait3A_85 = arith.constant 0 : i32
        %dma_wait3A_86 = tpu.memref_slice %arg8[%add3A_78, %dma_wait3A_85] : memref<160x125xi32, #tpu.memory_space<vmem>> -> memref<1x125xi32, #tpu.memory_space<vmem>>
        %dma_wait3A_87 = tpu.memref_squeeze %dma_wait3A_86 : memref<1x125xi32, #tpu.memory_space<vmem>> -> memref<125xi32, #tpu.memory_space<vmem>>
        %dma_wait3A_88 = arith.constant 0 : i32
        %dma_wait3A_89 = arith.constant 0 : i32
        %dma_wait3A_90 = tpu.memref_slice %arg11[%dma_wait3A_88, %dma_wait3A_89] : memref<10000x64xf32, #tpu.memory_space<vmem_shared>> -> memref<10000x64xf32, #tpu.memory_space<vmem_shared>>
        tpu.wait_indirect_dma semaphore(%run_scoped3A : memref<!tpu.dma_semaphore, #tpu.memory_space<semaphore_mem>>) src(%arg10 : memref<125x64xf32, #tpu.memory_space<vmem>>) dst(%dma_wait3A_90 : memref<10000x64xf32, #tpu.memory_space<vmem_shared>>)
        tpu.yield
      }) : () -> ()
    }
    %scan3A_18 = arith.constant 80 : i32
    %barrier3A_19 = arith.constant 0 : index
    tpu.barrier barrier_id(%barrier3A_19)
    %mul3A_20 = arith.constant 624 : i32
    %mul3A_21 = arith.muli %arg1, %mul3A_20 : i32
    %mul3A_22 = arith.constant 10000 : i32
    %mul3A_23 = arith.muli %arg0, %mul3A_22 : i32
    %mul3A_24 = arith.constant 624 : i32
    %mul3A_25 = arith.muli %arg1, %mul3A_24 : i32
    %add3A = arith.addi %mul3A_23, %mul3A_25 : i32
    "tpu.region"() ({
      %run_scoped3A = tpu.sem_alloc : memref<!tpu.dma_semaphore, #tpu.memory_space<semaphore_mem>>
      %dma_start3A_31 = arith.constant 0 : i32
      %dma_start3A_32 = tpu.memref_slice %arg6[%add3A, %dma_start3A_31] : memref<20000x64xf32, #tpu.memory_space<hbm>> -> memref<624x64xf32, #tpu.memory_space<hbm>>
      %dma_start3A_33 = arith.constant 0 : i32
      %dma_start3A_34 = tpu.memref_slice %arg11[%mul3A_21, %dma_start3A_33] : memref<10000x64xf32, #tpu.memory_space<vmem_shared>> -> memref<624x64xf32, #tpu.memory_space<vmem_shared>>
      tpu.enqueue_dma source(%dma_start3A_34 : memref<624x64xf32, #tpu.memory_space<vmem_shared>>) target(%dma_start3A_32 : memref<624x64xf32, #tpu.memory_space<hbm>>) target_semaphore(%run_scoped3A : memref<!tpu.dma_semaphore, #tpu.memory_space<semaphore_mem>>)
      %dma_wait3A = arith.constant 0 : i32
      %dma_wait3A_35 = tpu.memref_slice %arg6[%add3A, %dma_wait3A] : memref<20000x64xf32, #tpu.memory_space<hbm>> -> memref<624x64xf32, #tpu.memory_space<hbm>>
      %dma_wait3A_36 = arith.constant 0 : i32
      %dma_wait3A_37 = tpu.memref_slice %arg11[%mul3A_21, %dma_wait3A_36] : memref<10000x64xf32, #tpu.memory_space<vmem_shared>> -> memref<624x64xf32, #tpu.memory_space<vmem_shared>>
      tpu.wait_dma2 semaphore(%run_scoped3A : memref<!tpu.dma_semaphore, #tpu.memory_space<semaphore_mem>>) src(%dma_wait3A_37 : memref<624x64xf32, #tpu.memory_space<vmem_shared>>) dst(%dma_wait3A_35 : memref<624x64xf32, #tpu.memory_space<hbm>>)
      tpu.yield
    }) : () -> ()
    %eq3A_26 = arith.constant 0 : i32
    %eq3A_27 = arith.cmpi eq, %arg1, %eq3A_26 : i32
    %convert_element_type3A_28 = arith.extui %eq3A_27 : i1 to i32
    %cond3A_29 = arith.constant 0 : i32
    %cond3A_30 = arith.cmpi ne, %convert_element_type3A_28, %cond3A_29 : i32
    scf.if %cond3A_30 {
      %mul3A_31 = arith.constant 10000 : i32
      %mul3A_32 = arith.muli %arg0, %mul3A_31 : i32
      %add3A_33 = arith.constant 9984 : i32
      %add3A_34 = arith.addi %mul3A_32, %add3A_33 : i32
      "tpu.region"() ({
        %run_scoped3A = tpu.sem_alloc : memref<!tpu.dma_semaphore, #tpu.memory_space<semaphore_mem>>
        %dma_start3A_35 = arith.constant 0 : i32
        %dma_start3A_36 = tpu.memref_slice %arg6[%add3A_34, %dma_start3A_35] : memref<20000x64xf32, #tpu.memory_space<hbm>> -> memref<16x64xf32, #tpu.memory_space<hbm>>
        %dma_start3A_37 = arith.constant 9984 : i32
        %dma_start3A_38 = arith.constant 0 : i32
        %dma_start3A_39 = tpu.memref_slice %arg11[%dma_start3A_37, %dma_start3A_38] : memref<10000x64xf32, #tpu.memory_space<vmem_shared>> -> memref<16x64xf32, #tpu.memory_space<vmem_shared>>
        tpu.enqueue_dma source(%dma_start3A_39 : memref<16x64xf32, #tpu.memory_space<vmem_shared>>) target(%dma_start3A_36 : memref<16x64xf32, #tpu.memory_space<hbm>>) target_semaphore(%run_scoped3A : memref<!tpu.dma_semaphore, #tpu.memory_space<semaphore_mem>>)
        %dma_wait3A = arith.constant 0 : i32
        %dma_wait3A_40 = tpu.memref_slice %arg6[%add3A_34, %dma_wait3A] : memref<20000x64xf32, #tpu.memory_space<hbm>> -> memref<16x64xf32, #tpu.memory_space<hbm>>
        %dma_wait3A_41 = arith.constant 9984 : i32
        %dma_wait3A_42 = arith.constant 0 : i32
        %dma_wait3A_43 = tpu.memref_slice %arg11[%dma_wait3A_41, %dma_wait3A_42] : memref<10000x64xf32, #tpu.memory_space<vmem_shared>> -> memref<16x64xf32, #tpu.memory_space<vmem_shared>>
        tpu.wait_dma2 semaphore(%run_scoped3A : memref<!tpu.dma_semaphore, #tpu.memory_space<semaphore_mem>>) src(%dma_wait3A_43 : memref<16x64xf32, #tpu.memory_space<vmem_shared>>) dst(%dma_wait3A_40 : memref<16x64xf32, #tpu.memory_space<hbm>>)
        tpu.yield
      }) : () -> ()
    } else {
    }
    return
  }
}

module attributes {stable_mosaic.version = 14 : i64} {
  func.func @body(%arg0: i32, %arg1: memref<2000x128xf32, #tpu.memory_space<vmem>>, %arg2: memref<2000x1xf32, #tpu.memory_space<vmem>>, %arg3: memref<128x128xf32, #tpu.memory_space<vmem>>, %arg4: memref<128x128xf32, #tpu.memory_space<vmem>>, %arg5: memref<1x128xf32, #tpu.memory_space<vmem>>, %arg6: memref<1x128xf32, #tpu.memory_space<vmem>>, %arg7: memref<2x2000x64xf32, #tpu.memory_space<vmem>>) attributes {dimension_semantics = [#tpu.dimension_semantics<arbitrary>], iteration_bounds = array<i64: 5>, scalar_prefetch = 0 : i64, scratch_operands = 0 : i64, tpu.core_type = #tpu.core_type<tc>, window_params = [{transform_indices = @transform_0, window_bounds = array<i64: 2000, 128>}, {transform_indices = @transform_1, window_bounds = array<i64: 2000, 1>}, {pipeline_mode = #tpu.pipeline_mode<synchronous>, transform_indices = @transform_2, window_bounds = array<i64: 128, 128>}, {pipeline_mode = #tpu.pipeline_mode<synchronous>, transform_indices = @transform_3, window_bounds = array<i64: 128, 128>}, {pipeline_mode = #tpu.pipeline_mode<synchronous>, transform_indices = @transform_4, window_bounds = array<i64: 1, 128>}, {pipeline_mode = #tpu.pipeline_mode<synchronous>, transform_indices = @transform_5, window_bounds = array<i64: 1, 128>}, {transform_indices = @transform_6, window_bounds = array<i64: 2, 2000, 64>}]} {
    %get3A = arith.constant 0 : index
    %get3A_0 = arith.constant 0 : index
    %get3A_1 = vector.load %arg1[%get3A, %get3A_0] : memref<2000x128xf32, #tpu.memory_space<vmem>>, vector<2000x128xf32>
    %get3A_2 = arith.constant 0 : index
    %get3A_3 = arith.constant 0 : index
    %get3A_4 = vector.load %arg3[%get3A_2, %get3A_3] : memref<128x128xf32, #tpu.memory_space<vmem>>, vector<128x128xf32>
    %dot_general3A = arith.constant dense<0.000000e+00> : vector<2000x128xf32>
    %dot_general3A_5 = tpu.matmul %get3A_1, %get3A_4, %dot_general3A {dimension_numbers = #tpu.dot_dimension_numbers<[1], [0], [0], [1], [0, 0, 1, 1], [], []>, transpose_lhs_hint = false} : vector<2000x128xf32>, vector<128x128xf32>, vector<2000x128xf32> -> vector<2000x128xf32>
    %get3A_6 = arith.constant 0 : index
    %get3A_7 = arith.constant 0 : index
    %get3A_8 = vector.load %arg5[%get3A_6, %get3A_7] : memref<1x128xf32, #tpu.memory_space<vmem>>, vector<1x128xf32>
    %get3A_9 = arith.constant 0 : index
    %get3A_10 = arith.constant 0 : index
    %get3A_11 = vector.load %arg4[%get3A_9, %get3A_10] : memref<128x128xf32, #tpu.memory_space<vmem>>, vector<128x128xf32>
    %dot_general3A_12 = arith.constant dense<0.000000e+00> : vector<1x128xf32>
    %dot_general3A_13 = tpu.matmul %get3A_8, %get3A_11, %dot_general3A_12 {dimension_numbers = #tpu.dot_dimension_numbers<[1], [0], [0], [1], [0, 0, 1, 1], [], []>, transpose_lhs_hint = false} : vector<1x128xf32>, vector<128x128xf32>, vector<1x128xf32> -> vector<1x128xf32>
    %get3A_14 = arith.constant 0 : index
    %get3A_15 = arith.constant 0 : index
    %get3A_16 = vector.load %arg6[%get3A_14, %get3A_15] : memref<1x128xf32, #tpu.memory_space<vmem>>, vector<1x128xf32>
    %add3A = arith.addf %dot_general3A_13, %get3A_16 : vector<1x128xf32>
    %get3A_17 = arith.constant 0 : index
    %get3A_18 = arith.constant 0 : index
    %get3A_19 = vector.load %arg2[%get3A_17, %get3A_18] : memref<2000x1xf32, #tpu.memory_space<vmem>>, vector<2000x1xf32>
    %get3A_20 = arith.constant 0 : index
    %get3A_21 = arith.constant 0 : index
    %get3A_22 = vector.load %arg4[%get3A_20, %get3A_21] : memref<128x128xf32, #tpu.memory_space<vmem>>, vector<128x128xf32>
    %dot_general3A_23 = arith.constant dense<0.000000e+00> : vector<2000x128xf32>
    %dot_general3A_24 = tpu.matmul %dot_general3A_5, %get3A_22, %dot_general3A_23 {dimension_numbers = #tpu.dot_dimension_numbers<[1], [0], [0], [1], [0, 0, 1, 1], [], []>, transpose_lhs_hint = false} : vector<2000x128xf32>, vector<128x128xf32>, vector<2000x128xf32> -> vector<2000x128xf32>
    %add3A_25 = vector.broadcast %add3A : vector<1x128xf32> to vector<2000x128xf32>
    %add3A_26 = arith.addf %dot_general3A_24, %add3A_25 : vector<2000x128xf32>
    %mul3A = vector.broadcast %get3A_19 : vector<2000x1xf32> to vector<2000x128xf32>
    %mul3A_27 = arith.mulf %mul3A, %add3A_26 : vector<2000x128xf32>
    %slice3A = vector.extract_strided_slice %mul3A_27 {offsets = [0, 0], sizes = [2000, 64], strides = [1, 1]} : vector<2000x128xf32> to vector<2000x64xf32>
    %swap3A = arith.constant 0 : index
    %swap3A_28 = arith.constant 0 : index
    %swap3A_29 = arith.constant 0 : index
    %swap3A_30 = vector.load %arg7[%swap3A, %swap3A_28, %swap3A_29] : memref<2x2000x64xf32, #tpu.memory_space<vmem>>, vector<1x2000x64xf32>
    %swap3A_31 = vector.shape_cast %swap3A_30 : vector<1x2000x64xf32> to vector<2000x64xf32>
    %swap3A_32 = vector.shape_cast %slice3A : vector<2000x64xf32> to vector<1x2000x64xf32>
    tpu.vector_store %arg7[%swap3A, %swap3A_28, %swap3A_29], %swap3A_32 {strides = array<i32>} : memref<2x2000x64xf32, #tpu.memory_space<vmem>>, vector<1x2000x64xf32>,
    %slice3A_33 = vector.extract_strided_slice %mul3A_27 {offsets = [0, 64], sizes = [2000, 64], strides = [1, 1]} : vector<2000x128xf32> to vector<2000x64xf32>
    %swap3A_34 = arith.constant 1 : index
    %swap3A_35 = arith.constant 0 : index
    %swap3A_36 = arith.constant 0 : index
    %swap3A_37 = vector.load %arg7[%swap3A_34, %swap3A_35, %swap3A_36] : memref<2x2000x64xf32, #tpu.memory_space<vmem>>, vector<1x2000x64xf32>
    %swap3A_38 = vector.shape_cast %swap3A_37 : vector<1x2000x64xf32> to vector<2000x64xf32>
    %swap3A_39 = vector.shape_cast %slice3A_33 : vector<2000x64xf32> to vector<1x2000x64xf32>
    tpu.vector_store %arg7[%swap3A_34, %swap3A_35, %swap3A_36], %swap3A_39 {strides = array<i32>} : memref<2x2000x64xf32, #tpu.memory_space<vmem>>, vector<1x2000x64xf32>,
    return
  }
  func.func @transform_0(%arg0: i32) -> (i32, i32) {
    %c0_i32 = arith.constant 0 : i32
    %c0_i32_0 = arith.constant 0 : i32
    return %arg0, %c0_i32 : i32, i32
  }
  func.func @transform_1(%arg0: i32) -> (i32, i32) {
    %c0_i32 = arith.constant 0 : i32
    %c0_i32_0 = arith.constant 0 : i32
    return %arg0, %c0_i32 : i32, i32
  }
  func.func @transform_2(%arg0: i32) -> (i32, i32) {
    %c0_i32 = arith.constant 0 : i32
    %c0_i32_0 = arith.constant 0 : i32
    %c0_i32_1 = arith.constant 0 : i32
    return %c0_i32, %c0_i32_0 : i32, i32
  }
  func.func @transform_3(%arg0: i32) -> (i32, i32) {
    %c0_i32 = arith.constant 0 : i32
    %c0_i32_0 = arith.constant 0 : i32
    %c0_i32_1 = arith.constant 0 : i32
    return %c0_i32, %c0_i32_0 : i32, i32
  }
  func.func @transform_4(%arg0: i32) -> (i32, i32) {
    %c0_i32 = arith.constant 0 : i32
    %c0_i32_0 = arith.constant 0 : i32
    %c0_i32_1 = arith.constant 0 : i32
    return %c0_i32, %c0_i32_0 : i32, i32
  }
  func.func @transform_5(%arg0: i32) -> (i32, i32) {
    %c0_i32 = arith.constant 0 : i32
    %c0_i32_0 = arith.constant 0 : i32
    %c0_i32_1 = arith.constant 0 : i32
    return %c0_i32, %c0_i32_0 : i32, i32
  }
  func.func @transform_6(%arg0: i32) -> (i32, i32, i32) {
    %c0_i32 = arith.constant 0 : i32
    %c0_i32_0 = arith.constant 0 : i32
    %c0_i32_1 = arith.constant 0 : i32
    return %c0_i32, %arg0, %c0_i32_0 : i32, i32, i32
  }
}

module attributes {stable_mosaic.version = 14 : i64} {
  func.func @body(%arg0: i32, %arg1: memref<2000x64xf32, #tpu.memory_space<vmem>>, %arg2: memref<2000x64xf32, #tpu.memory_space<vmem>>, %arg3: memref<2000x1xf32, #tpu.memory_space<vmem>>, %arg4: memref<2000x1xf32, #tpu.memory_space<vmem>>, %arg5: memref<128x128xf32, #tpu.memory_space<vmem>>, %arg6: memref<1x128xf32, #tpu.memory_space<vmem>>, %arg7: memref<2x2000x64xf32, #tpu.memory_space<vmem>>) attributes {dimension_semantics = [#tpu.dimension_semantics<arbitrary>], iteration_bounds = array<i64: 5>, scalar_prefetch = 0 : i64, scratch_operands = 0 : i64, tpu.core_type = #tpu.core_type<tc>, window_params = [{transform_indices = @transform_0, window_bounds = array<i64: 2000, 64>}, {transform_indices = @transform_1, window_bounds = array<i64: 2000, 64>}, {transform_indices = @transform_2, window_bounds = array<i64: 2000, 1>}, {transform_indices = @transform_3, window_bounds = array<i64: 2000, 1>}, {pipeline_mode = #tpu.pipeline_mode<synchronous>, transform_indices = @transform_4, window_bounds = array<i64: 128, 128>}, {pipeline_mode = #tpu.pipeline_mode<synchronous>, transform_indices = @transform_5, window_bounds = array<i64: 1, 128>}, {transform_indices = @transform_6, window_bounds = array<i64: 2, 2000, 64>}]} {
    %get3A = arith.constant 0 : index
    %get3A_0 = arith.constant 0 : index
    %get3A_1 = vector.load %arg1[%get3A, %get3A_0] : memref<2000x64xf32, #tpu.memory_space<vmem>>, vector<2000x64xf32>
    %get3A_2 = arith.constant 0 : index
    %get3A_3 = arith.constant 0 : index
    %get3A_4 = vector.load %arg3[%get3A_2, %get3A_3] : memref<2000x1xf32, #tpu.memory_space<vmem>>, vector<2000x1xf32>
    %div3A = vector.broadcast %get3A_4 : vector<2000x1xf32> to vector<2000x64xf32>
    %div3A_5 = arith.divf %get3A_1, %div3A : vector<2000x64xf32>
    %get3A_6 = arith.constant 0 : index
    %get3A_7 = arith.constant 0 : index
    %get3A_8 = vector.load %arg2[%get3A_6, %get3A_7] : memref<2000x64xf32, #tpu.memory_space<vmem>>, vector<2000x64xf32>
    %get3A_9 = arith.constant 0 : index
    %get3A_10 = arith.constant 0 : index
    %get3A_11 = vector.load %arg3[%get3A_9, %get3A_10] : memref<2000x1xf32, #tpu.memory_space<vmem>>, vector<2000x1xf32>
    %div3A_12 = vector.broadcast %get3A_11 : vector<2000x1xf32> to vector<2000x64xf32>
    %div3A_13 = arith.divf %get3A_8, %div3A_12 : vector<2000x64xf32>
    %get3A_14 = arith.constant 0 : index
    %get3A_15 = arith.constant 0 : index
    %get3A_16 = vector.load %arg5[%get3A_14, %get3A_15] : memref<128x128xf32, #tpu.memory_space<vmem>>, vector<64x128xf32>
    %dot_general3A = arith.constant dense<0.000000e+00> : vector<2000x128xf32>
    %dot_general3A_17 = tpu.matmul %div3A_5, %get3A_16, %dot_general3A {dimension_numbers = #tpu.dot_dimension_numbers<[1], [0], [0], [1], [0, 0, 1, 1], [], []>, transpose_lhs_hint = false} : vector<2000x64xf32>, vector<64x128xf32>, vector<2000x128xf32> -> vector<2000x128xf32>
    %get3A_18 = arith.constant 64 : index
    %get3A_19 = arith.constant 0 : index
    %get3A_20 = vector.load %arg5[%get3A_18, %get3A_19] : memref<128x128xf32, #tpu.memory_space<vmem>>, vector<64x128xf32>
    %dot_general3A_21 = arith.constant dense<0.000000e+00> : vector<2000x128xf32>
    %dot_general3A_22 = tpu.matmul %div3A_13, %get3A_20, %dot_general3A_21 {dimension_numbers = #tpu.dot_dimension_numbers<[1], [0], [0], [1], [0, 0, 1, 1], [], []>, transpose_lhs_hint = false} : vector<2000x64xf32>, vector<64x128xf32>, vector<2000x128xf32> -> vector<2000x128xf32>
    %add3A = arith.addf %dot_general3A_17, %dot_general3A_22 : vector<2000x128xf32>
    %get3A_23 = arith.constant 0 : index
    %get3A_24 = arith.constant 0 : index
    %get3A_25 = vector.load %arg4[%get3A_23, %get3A_24] : memref<2000x1xf32, #tpu.memory_space<vmem>>, vector<2000x1xf32>
    %get3A_26 = arith.constant 0 : index
    %get3A_27 = arith.constant 0 : index
    %get3A_28 = vector.load %arg6[%get3A_26, %get3A_27] : memref<1x128xf32, #tpu.memory_space<vmem>>, vector<1x128xf32>
    %add3A_29 = vector.broadcast %get3A_28 : vector<1x128xf32> to vector<2000x128xf32>
    %add3A_30 = arith.addf %add3A, %add3A_29 : vector<2000x128xf32>
    %mul3A = vector.broadcast %get3A_25 : vector<2000x1xf32> to vector<2000x128xf32>
    %mul3A_31 = arith.mulf %mul3A, %add3A_30 : vector<2000x128xf32>
    %slice3A = vector.extract_strided_slice %mul3A_31 {offsets = [0, 0], sizes = [2000, 64], strides = [1, 1]} : vector<2000x128xf32> to vector<2000x64xf32>
    %swap3A = arith.constant 0 : index
    %swap3A_32 = arith.constant 0 : index
    %swap3A_33 = arith.constant 0 : index
    %swap3A_34 = vector.load %arg7[%swap3A, %swap3A_32, %swap3A_33] : memref<2x2000x64xf32, #tpu.memory_space<vmem>>, vector<1x2000x64xf32>
    %swap3A_35 = vector.shape_cast %swap3A_34 : vector<1x2000x64xf32> to vector<2000x64xf32>
    %swap3A_36 = vector.shape_cast %slice3A : vector<2000x64xf32> to vector<1x2000x64xf32>
    tpu.vector_store %arg7[%swap3A, %swap3A_32, %swap3A_33], %swap3A_36 {strides = array<i32>} : memref<2x2000x64xf32, #tpu.memory_space<vmem>>, vector<1x2000x64xf32>,
    %slice3A_37 = vector.extract_strided_slice %mul3A_31 {offsets = [0, 64], sizes = [2000, 64], strides = [1, 1]} : vector<2000x128xf32> to vector<2000x64xf32>
    %swap3A_38 = arith.constant 1 : index
    %swap3A_39 = arith.constant 0 : index
    %swap3A_40 = arith.constant 0 : index
    %swap3A_41 = vector.load %arg7[%swap3A_38, %swap3A_39, %swap3A_40] : memref<2x2000x64xf32, #tpu.memory_space<vmem>>, vector<1x2000x64xf32>
    %swap3A_42 = vector.shape_cast %swap3A_41 : vector<1x2000x64xf32> to vector<2000x64xf32>
    %swap3A_43 = vector.shape_cast %slice3A_37 : vector<2000x64xf32> to vector<1x2000x64xf32>
    tpu.vector_store %arg7[%swap3A_38, %swap3A_39, %swap3A_40], %swap3A_43 {strides = array<i32>} : memref<2x2000x64xf32, #tpu.memory_space<vmem>>, vector<1x2000x64xf32>,
    return
  }
  func.func @transform_0(%arg0: i32) -> (i32, i32) {
    %c0_i32 = arith.constant 0 : i32
    %c0_i32_0 = arith.constant 0 : i32
    return %arg0, %c0_i32 : i32, i32
  }
  func.func @transform_1(%arg0: i32) -> (i32, i32) {
    %c0_i32 = arith.constant 0 : i32
    %c0_i32_0 = arith.constant 0 : i32
    return %arg0, %c0_i32 : i32, i32
  }
  func.func @transform_2(%arg0: i32) -> (i32, i32) {
    %c0_i32 = arith.constant 0 : i32
    %c0_i32_0 = arith.constant 0 : i32
    return %arg0, %c0_i32 : i32, i32
  }
  func.func @transform_3(%arg0: i32) -> (i32, i32) {
    %c0_i32 = arith.constant 0 : i32
    %c0_i32_0 = arith.constant 0 : i32
    return %arg0, %c0_i32 : i32, i32
  }
  func.func @transform_4(%arg0: i32) -> (i32, i32) {
    %c0_i32 = arith.constant 0 : i32
    %c0_i32_0 = arith.constant 0 : i32
    %c0_i32_1 = arith.constant 0 : i32
    return %c0_i32, %c0_i32_0 : i32, i32
  }
  func.func @transform_5(%arg0: i32) -> (i32, i32) {
    %c0_i32 = arith.constant 0 : i32
    %c0_i32_0 = arith.constant 0 : i32
    %c0_i32_1 = arith.constant 0 : i32
    return %c0_i32, %c0_i32_0 : i32, i32
  }
  func.func @transform_6(%arg0: i32) -> (i32, i32, i32) {
    %c0_i32 = arith.constant 0 : i32
    %c0_i32_0 = arith.constant 0 : i32
    %c0_i32_1 = arith.constant 0 : i32
    return %c0_i32, %arg0, %c0_i32_0 : i32, i32, i32
  }
}

module attributes {stable_mosaic.version = 14 : i64} {
  func.func @body(%arg0: i32, %arg1: memref<2000x64xf32, #tpu.memory_space<vmem>>, %arg2: memref<2000x64xf32, #tpu.memory_space<vmem>>, %arg3: memref<2000x1xf32, #tpu.memory_space<vmem>>, %arg4: memref<2000x128xf32, #tpu.memory_space<vmem>>) attributes {dimension_semantics = [#tpu.dimension_semantics<arbitrary>], iteration_bounds = array<i64: 5>, scalar_prefetch = 0 : i64, scratch_operands = 0 : i64, tpu.core_type = #tpu.core_type<tc>, window_params = [{transform_indices = @transform_0, window_bounds = array<i64: 2000, 64>}, {transform_indices = @transform_1, window_bounds = array<i64: 2000, 64>}, {transform_indices = @transform_2, window_bounds = array<i64: 2000, 1>}, {transform_indices = @transform_3, window_bounds = array<i64: 2000, 128>}]} {
    %get3A = arith.constant 0 : index
    %get3A_0 = arith.constant 0 : index
    %get3A_1 = vector.load %arg1[%get3A, %get3A_0] : memref<2000x64xf32, #tpu.memory_space<vmem>>, vector<2000x64xf32>
    %get3A_2 = arith.constant 0 : index
    %get3A_3 = arith.constant 0 : index
    %get3A_4 = vector.load %arg2[%get3A_2, %get3A_3] : memref<2000x64xf32, #tpu.memory_space<vmem>>, vector<2000x64xf32>
    %concatenate3A = tpu.concatenate %get3A_1, %get3A_4 in 1 : vector<2000x64xf32>, vector<2000x64xf32> -> vector<2000x128xf32>
    %get3A_5 = arith.constant 0 : index
    %get3A_6 = arith.constant 0 : index
    %get3A_7 = vector.load %arg3[%get3A_5, %get3A_6] : memref<2000x1xf32, #tpu.memory_space<vmem>>, vector<2000x1xf32>
    %div3A = vector.broadcast %get3A_7 : vector<2000x1xf32> to vector<2000x128xf32>
    %div3A_8 = arith.divf %concatenate3A, %div3A : vector<2000x128xf32>
    %swap3A = arith.constant 0 : index
    %swap3A_9 = arith.constant 0 : index
    %swap3A_10 = vector.load %arg4[%swap3A, %swap3A_9] : memref<2000x128xf32, #tpu.memory_space<vmem>>, vector<2000x128xf32>
    tpu.vector_store %arg4[%swap3A, %swap3A_9], %div3A_8 {strides = array<i32>} : memref<2000x128xf32, #tpu.memory_space<vmem>>, vector<2000x128xf32>,
    return
  }
  func.func @transform_0(%arg0: i32) -> (i32, i32) {
    %c0_i32 = arith.constant 0 : i32
    %c0_i32_0 = arith.constant 0 : i32
    return %arg0, %c0_i32 : i32, i32
  }
  func.func @transform_1(%arg0: i32) -> (i32, i32) {
    %c0_i32 = arith.constant 0 : i32
    %c0_i32_0 = arith.constant 0 : i32
    return %arg0, %c0_i32 : i32, i32
  }
  func.func @transform_2(%arg0: i32) -> (i32, i32) {
    %c0_i32 = arith.constant 0 : i32
    %c0_i32_0 = arith.constant 0 : i32
    return %arg0, %c0_i32 : i32, i32
  }
  func.func @transform_3(%arg0: i32) -> (i32, i32) {
    %c0_i32 = arith.constant 0 : i32
    %c0_i32_0 = arith.constant 0 : i32
    return %arg0, %c0_i32 : i32, i32
  }
}

</mosaic_0001>

<sc_bundles>
// kernel: kernel.10.cloned.1.call-start
scs
__scs_entry_jumppad:
0x0: {  	(pc) =	sbr.rel $0x88, $3  }
0x1: {  	(tag) =	ssettag $0x0;
	lr =	simm.s32 $0x1  }
0x2: {  	[smem:$0x3F95] =	sst lr;
	_ =	strace $0xD0000000  }
0x3: {  	_ = 	snop  }
0x4: {  	_ = 	snop  }
0x5: {  	_ = 	snop  }
0x6: {  	_ = 	snop  }
0x7: {  	_ = 	snop  }
__scs_overlays_trampoline_lowered:
0x8: {  	[smem:$0x3FA4] =	sst s0  }
0x9: {  	[smem:$0x3FA5] =	sst s1  }
0xa: {  	[smem:$0x3FA6] =	sst s2  }
0xb: {  	[smem:$0x3FA7] =	sst s3  }
0xc: {  	[smem:$0x3FA8] =	sst s4  }
0xd: {  	[smem:$0x3FA9] =	sst s5  }
0xe: {  	[smem:$0x3FAA] =	sst s6  }
0xf: {  	[smem:$0x3FAB] =	sst s7  }
0x10: {  	[smem:$0x3FAC] =	sst s8  }
0x11: {  	[smem:$0x3FAD] =	sst s9;
	s0 =	simm.s32 @!p0 $0x0  }
0x12: {  	s1 =	sld [smem:$0x3F93];
	s0 =	simm.s32 @p0 $0x1  }
0x13: {  	[smem:$0x3FAE] =	sst s0;
	s0 =	simm.s32 @!p1 $0x0  }
0x14: {  	s2 =	sld [smem:$0x3F92];
	s0 =	simm.s32 @p1 $0x1  }
0x15: {  	[smem:$0x3FAF] =	sst s0;
	s0 =	simm.s32 @!p2 $0x0  }
0x16: {  	s3 =	sld [smem:$0x3FDB];
	s0 =	simm.s32 @p2 $0x1  }
0x17: {  	s4 =	simm.s32 $0x1BF5;
	[smem:$0x3FB1] =	sst s0  }
0x18: {  	s0 =	sld [smem:$0x3F94];
	_ =	swait.ge [sflag:s4], $0x0  }
0x19: {  	s7 =	sld [smem:$0x3F95]  }
0x1a: {  	s8 =	sadd.s32 $0xFFFFE003, lr  }
0x1b: {  	s9 =	sadd.s32 $0xFFFFFEF7, lr;
	s5 =	simm.s32 $0xFFFFFFFF;
	p2 =	slt.u32 s8, $0xFFFFF086  }
0x1c: {  	p1 =	slt.u32 s9, $0xF7A;
	s5 =	simm.s32 @!p2 $0x0  }
0x1d: {  	s5 =	simm.s32 @p1 $0x1;
	p0 =	seq.s32 s7, s2  }
0x1e: {  	s7 =	smul.u32 @!p0 $0xF7A, s2;
	p2 =	seq.s32 @!p0 s5, $0x0  }
0x1f: {  	s9 =	smul.u32 $0xF7A, s1;
	s8 =	simm.s32 @!p0 $0x1BF5;
	p2 =	por !p2, p0  }
0x20: {  	[sflag:s8] =	ssyncset.s32 @!p0 $0xFFFFF086;
	s6 =	sadd.s32 @!p0 s3, s7;
	s7 =	simm.s32 @!p0 $0x108  }
0x21: {  	s3 =	sadd.s32 s3, s9;
	s6 =	sadd.s32 @!p0 $0x88, s6;
	s7 =	simm.s32 @p2 $0x1082  }
0x22: {  	[simem:s7], [sflag:s8] =	dma.local @!p0 [hbm:s6], $0xF7A  }
0x23: {  	s9 =	sor.u32 $0xD0000000, s2;
	s6 =	simm.s32 $0x108;
	_ =	swait.ge @!p0 [sflag:s8], $0x0  }
0x24: {  	s3 =	sadd.s32 $0x88, s3;
	s6 =	simm.s32 @!p1 $0x1082;
	[sflag:s4] =	ssyncset.s32 $0xFFFFF086  }
0x25: {  	[simem:s6], [sflag:s4] =	dma.local [hbm:s3], $0xF7A  }
0x26: {  	[smem:$0x3F95] =	sst s1;
	(tag) =	ssettag s2;
	_ =	strace s9  }
0x27: {  	s1 =	sld [smem:$0x3FA5]  }
0x28: {  	s2 =	sld [smem:$0x3FA6]  }
0x29: {  	s4 =	sld [smem:$0x3FA8]  }
0x2a: {  	p0 =	seq.s32 s5, $0x0;
	s5 =	sld [smem:$0x3FA9]  }
0x2b: {  	s6 =	sld [smem:$0x3FAA]  }
0x2c: {  	s7 =	sld [smem:$0x3FAB]  }
0x2d: {  	s3 =	simm.s32 $0x108;
	s8 =	sld [smem:$0x3FAC]  }
0x2e: {  	s3 =	simm.s32 @!p0 $0x1082;
	s9 =	sld [smem:$0x3FAD]  }
0x2f: {  	lr =	sadd.s32 s0, s3;
	s0 =	sld [smem:$0x3FA4]  }
0x30: {  	s3 =	sld [smem:$0x3FA7]  }
0x31: {  	[smem:$0x3FB0] =	sst s10  }
0x32: {  	s10 =	sld [smem:$0x3FAE];
	_ =	sdelay $0x3  }
0x33: {  	p0 =	seq.s32 s10, $0x1;
	s10 =	sld [smem:$0x3FB0];
	_ =	sdelay $0x3  }
0x34: {  	[smem:$0x3FB0] =	sst s10  }
0x35: {  	s10 =	sld [smem:$0x3FAF];
	_ =	sdelay $0x3  }
0x36: {  	p1 =	seq.s32 s10, $0x1;
	s10 =	sld [smem:$0x3FB0];
	_ =	sdelay $0x3  }
0x37: {  	[smem:$0x3FB0] =	sst s10  }
0x38: {  	s10 =	sld [smem:$0x3FB1]  }
0x39: {  	_ = 	snop;
	(pc) =	sbr.ind lr, $3  }
0x3a: {  	_ = 	snop  }
0x3b: {  	_ = 	snop  }
0x3c: {  	p2 =	seq.s32 s10, $0x1;
	s10 =	sld [smem:$0x3FB0]  }
0x3d: {  	_ =	shalt  }
0x3e: {  	_ =	shalt  }
0x3f: {  	_ =	shalt  }
0x40: {  	_ =	shalt  }
0x41: {  	_ =	shalt  }
0x42: {  	_ =	shalt  }
0x43: {  	_ =	shalt  }
0x44: {  	_ =	shalt  }
0x45: {  	_ =	shalt  }
0x46: {  	_ =	shalt  }
0x47: {  	_ =	shalt  }
0x48: {  	_ =	shalt  }
0x49: {  	_ =	shalt  }
0x4a: {  	_ =	shalt  }
0x4b: {  	_ =	shalt  }
0x4c: {  	_ =	shalt  }
0x4d: {  	_ =	shalt  }
0x4e: {  	_ =	shalt  }
0x4f: {  	_ =	shalt  }
0x50: {  	_ =	shalt  }
0x51: {  	_ =	shalt  }
0x52: {  	_ =	shalt  }
0x53: {  	_ =	shalt  }
0x54: {  	_ =	shalt  }
0x55: {  	_ =	shalt  }
0x56: {  	_ =	shalt  }
0x57: {  	_ =	shalt  }
0x58: {  	_ =	shalt  }
0x59: {  	_ =	shalt  }
0x5a: {  	_ =	shalt  }
0x5b: {  	_ =	shalt  }
0x5c: {  	_ =	shalt  }
0x5d: {  	_ =	shalt  }
0x5e: {  	_ =	shalt  }
0x5f: {  	_ =	shalt  }
0x60: {  	_ =	shalt  }
0x61: {  	_ =	shalt  }
0x62: {  	_ =	shalt  }
0x63: {  	_ =	shalt  }
0x64: {  	_ =	shalt  }
0x65: {  	_ =	shalt  }
0x66: {  	_ =	shalt  }
0x67: {  	_ =	shalt  }
0x68: {  	_ =	shalt  }
0x69: {  	_ =	shalt  }
0x6a: {  	_ =	shalt  }
0x6b: {  	_ =	shalt  }
0x6c: {  	_ =	shalt  }
0x6d: {  	_ =	shalt  }
0x6e: {  	_ =	shalt  }
0x6f: {  	_ =	shalt  }
0x70: {  	_ =	shalt  }
0x71: {  	_ =	shalt  }
0x72: {  	_ =	shalt  }
0x73: {  	_ =	shalt  }
0x74: {  	_ =	shalt  }
0x75: {  	_ =	shalt  }
0x76: {  	_ =	shalt  }
0x77: {  	_ =	shalt  }
0x78: {  	_ =	shalt  }
0x79: {  	_ =	shalt  }
0x7a: {  	_ =	shalt  }
0x7b: {  	_ =	shalt  }
0x7c: {  	_ =	shalt  }
0x7d: {  	_ =	shalt  }
0x7e: {  	_ =	shalt  }
0x7f: {  	_ =	shalt  }
0x80: {  	_ =	shalt  }
0x81: {  	_ =	shalt  }
0x82: {  	_ =	shalt  }
0x83: {  	_ =	shalt  }
0x84: {  	_ =	shalt  }
0x85: {  	_ =	shalt  }
0x86: {  	_ =	shalt  }
0x87: {  	_ =	shalt  }
.Lfunc_end0:
.L_simem_size_0:
called_computation.1_lowered:
.L_overlay_start_0:
0x88: {  	s2 =	sld [smem:$0x3FD9]  }
0x89: {  	s3 =	sld [smem:$0x3FFE];
	_ =	sdelay $0x1  }
0x8a: {  	s1 =	srdreg.scid  }
0x8b: {  	s0 =	sand.u32 $0x1, s1  }
0x8c: {  	s17 =	sshll.u32 s0, $0xA;
	s2 =	sadd.s32 s3, s2  }
0x8d: {  	s2 =	sadd.s32 s2, s17  }
0x8e: {  	[smem:$0x3FBC] =	sst s2  }
0x8f: {  	_ = 	snop  }
0x90: {  	s2 =	sld [smem:$0x3FD0];
	(tm) =	ssettm $0x1  }
0x91: {  	s18 =	sld [smem:$0x3FFB];
	_ =	sdelay $0x3  }
0x92: {  	_ =	strace s18  }
0x93: {  	s3 =	sld [smem:$0x3FFC];
	_ =	sdelay $0x3  }
0x94: {  	_ =	strace s3  }
0x95: {  	s3 =	sld [smem:$0x3FFD];
	_ =	sdelay $0x3  }
0x96: {  	_ =	strace s3  }
0x97: {  	_ =	strace $0x8FFFFFFF  }
0x98: {  	s19 =	sld [smem:$0x3FDB];
	_ =	sdelay $0x1  }
0x99: {  	s4 =	simm.s32 $_scs_section_size  }
0x9a: {  	s5 =	simm.s32 $_size__tile_overlayer_lowered;
	s6 =	simm.s32 $_tile_overlayer_lowered  }
0x9b: {  	s22 =	simm.s32 $0x1BFF;
	s21 =	sshll.u32 s6, $0x1;
	s3 =	sadd.s32 s4, s19  }
0x9c: {  	s7 =	simm.s32 $0x0;
	s20 =	sshll.u32 s5, $0x1;
	s5 =	sadd.s32 s21, s3  }
0x9d: {  	[timem:s7], [sflag:s22] =	dma.local [hbm:s5], s20  }
0x9e: {  	_ =	swait.ge [sflag:s22], s20  }
0x9f: {  	s4 =	ssub.s32 $0x0, s20;
	[sflag:s22] =	ssyncset.done $0x0  }
0xa0: {  	[sflag:s22] =	ssyncadd.s32 s4;
	_ =	sdelay $0x1  }
0xa1: {  	s23 =	simm.s32 $0x1B8B  }
0xa2: {  	_ =	swait.ge [sflag:s23], $0x1  }
0xa3: {  	[sflag:s23] =	ssyncset.done $0x0  }
0xa4: {  	s25 =	simm.s32 $0x1B8E;
	s24 =	sld [smem:$0x3FFE];
	[sflag:s23] =	ssyncadd.s32 $0xFFFFFFFF  }
0xa5: {  	s26 =	simm.s32 $execute0_lowered;
	[smem:$0x3FD2] =	sst s25  }
0xa6: {  	s5 =	sshll.u32 s26, $0x1;
	_ =	strace $0x80000049;
	[dreg:$0x1] =	wrdreg $0xFFFFFFFF  }
0xa7: {  	s28 =	simm.s32 $_size_execute0_lowered;
	s3 =	sadd.s32 s3, s5;
	[dreg:$0x0] =	wrdreg $0x0  }
0xa8: {  	s5 =	sshll.u32 s28, $0x1;
	[dreg:$0x2] =	wrdreg s3  }
0xa9: {  	[dreg:$0x3] =	wrdreg s5  }
0xaa: {  	[dreg:$0x4] =	wrdreg $0xC0  }
0xab: {  	_ =	task [dreg:s7], $0x5FFFF  }
0xac: {  	[dreg:$0x1] =	wrdreg $0xFFFFFFFF  }
0xad: {  	[dreg:$0x0] =	wrdreg $0x60  }
0xae: {  	[dreg:$0x2] =	wrdreg s2  }
0xaf: {  	[dreg:$0x3] =	wrdreg s24  }
0xb0: {  	[dreg:$0x4] =	wrdreg $0xDE800  }
0xb1: {  	[dreg:$0x5] =	wrdreg $0x9  }
0xb2: {  	_ =	task.clear_ibuf [dreg:s7], $0x6FFFF;
	_ =	strace $0x90000049  }
0xb3: {  	s29 =	simm.s32 $0x9;
	_ =	strace $0x8000004B  }
0xb4: {  	_ =	swait.ge [sflag:s29], $0x1  }
0xb5: {  	[sflag:s29] =	ssyncadd.s32 $0xFFFFFFFF  }
0xb6: {  	_ =	strace $0x9000004B  }
0xb7: {  	_ =	sfence  }
0xb8: {  	s30 =	sld [smem:$0x0];
	_ =	sdelay $0x2  }
0xb9: {  	s31 =	sshll.u32 s1, $0xD;
	s1 =	sshrl.u32 s1, $0x2  }
0xba: {  	s3 =	sand.u32 $0x4000, s31;
	s1 =	sadd.s32 s1, s30  }
0xbb: {  	s0 =	sor.u32 s3, s0;
	s1 =	sshll.u32 s1, $0x11  }
0xbc: {  	s0 =	sor.u32 s1, s0  }
0xbd: {  	s0 =	sadd.s32 $0x8F2B, s0  }
0xbe: {  	[sflag:s0] =	ssyncadd.remote.s32 $0x1  }
0xbf: {  	_ =	sfence.sel $0xFFFF  }
0xc0: {  	[dreg:$0x0] =	wrdreg $0xFFFFFFFF;
	(pc) =	sbr.abs _section_cstart, $3  }
0xc1: {  	[dreg:$0x1] =	wrdreg $0xFFFFFFFF  }
0xc2: {  	_ =	task.clear_ibuf [dreg:s7], $0x2FFFF;
	_ =	strace $0x9FFFFFFF  }
0xc3: {  	(tm) =	ssettm $0x7FFFFFFF  }
tec
execute0_lowered:
.L_overlay_start_1:
0x0: {  	(tag) =	ssettag $0x1  }
0x1: {  	s8 =	rddreg [dreg:$0x0]  }
0x2: {  	s5 =	rddreg [dreg:$0x1]  }
0x3: {  	s1 =	rddreg [dreg:$0x2]  }
0x4: {  	s0 =	rddreg [dreg:$0x3];
	s2 =	simm.s32 $0x0;
	s12 =	stileid.u32  }
0x5: {  	s6 =	srdreg.scid;
	s17 =	simm.s32 $0xA000;
	s18 =	simm.s32 $0xBF40  }
0x6: {  	s19 =	simm.s32 $0x1;
	s20 =	simm.s32 $0x2;
	s21 =	simm.s32 $0x4F80  }
0x7: {  	s22 =	simm.s32 $0x9F00;
	s23 =	simm.s32 $0x9F80;
	s3 =	smul.u32 $0xA00, s12  }
0x8: {  	s24 =	simm.s32 $0x0;
	[smem:$0x7FF] =	sst s2;
	s4 =	smul.u32 $0x9C00, s12  }
0x9: {  	s6 =	sand.u32 $0x1, s6;
	s10 =	sadd.s32 $0x29A00, s5;
	s30 =	smul.u32 $0x1380, s12  }
0xa: {  	s31 =	sshll.u32 s12, $0x6;
	s15 =	sadd.s32 $0x9C000, s1;
	p0 =	sne.s32 s12, $0x0  }
0xb: {  	_ =	strace $0x8000004A;
	s9 =	ssub.s32 $0x2, s6;
	s14 =	smul.u32 $0x9C400, s6  }
0xc: {  	s16 =	smul.u32 $0x13880, s6;
	s7 =	sadd.s32 s3, s5;
	s29 =	sshrl.u32 s4, $0x3  }
0xd: {  	s11 =	sshrl.u32 s9, $0x1;
	s13 =	sadd.s32 s4, s1;
	s4 =	sor.u32 $0x1C03, s31  }
0xe: {  	s3 =	sadd.s32 s29, s5;
	s11 =	ssub.s32 s9, s11;
	s5 =	sadd.s32 $0x29800, s5  }
0xf: {  	s6 =	sadd.s32 $0xC000, s7;
	s14 =	sshrl.u32 s14, $0x3;
	s7 =	sadd.s32 $0x2000, s7  }
0x10: {  	s9 =	sadd.s32 s30, s16;
	s8 =	sadd.s32 s8, s16;
	s12 =	sshrl.u32 s13, $0x3  }
0x11: {  	s13 =	simm.s32 $0x3;
	s16 =	simm.s32 $0x7D;
	s3 =	sadd.s32 $0x16000, s3  }
0x12: {  	s14 =	sadd.s32 s10, s14;
	s9 =	sadd.s32 s10, s9;
	s11 =	smax.u32 s11, $0x1  }
0x13: {  	s10 =	sadd.s32 $0x13800, s14;
	s14 =	sshrl.u32 @!p0 s15, $0x3;
	s15 =	simm.s32 $0x5000  }
.LBB2_1:
0x14: {  	[spmem:s12], [sflag:s4] =	dma.local [hbm:s3], $0x1380  }
0x15: {  	_ =	swait.ge [sflag:s13], $0x1380  }
0x16: {  	[sflag:s13] =	ssyncset.done $0x0  }
0x17: {  	s25 =	simm.s32 @!p0 $0x3;
	[sflag:s13] =	ssyncadd.s32 $0xFFFFEC80  }
0x18: {  	[spmem:s14], [sflag:s4] =	dma.local @!p0 [hbm:s5], $0x80  }
0x19: {  	_ =	swait.ge @!p0 [sflag:s25], $0x80  }
0x1a: {  	[sflag:s25] =	ssyncset.done @!p0 $0x0  }
0x1b: {  	[sflag:s25] =	ssyncadd.s32 @!p0 $0xFFFFFF80  }
0x1c: {  	[tilespmem:s2], [sflag:$0x3] =	stream.linear.gather [hbm4b:s6+s2], $0x5000, $0x38;
	[tilespmem:$0x17AC0] =	vst v63  }
0x1d: {  	_ =	swait.ge [sflag:s13], $0x5000  }
0x1e: {  	[sflag:s13] =	ssyncset.done $0x0  }
0x1f: {  	[sflag:s13] =	ssyncadd.s32 $0xFFFFB000  }
0x20: {  	[tilespmem:s15], [sflag:$0x3] =	stream.linear.gather [hbm4b:s7+s2], $0x5000, $0x38;
	[tilespmem:$0x17AC0] =	vst v63  }
0x21: {  	_ =	swait.ge [sflag:s13], $0x5000  }
0x22: {  	[sflag:s13] =	ssyncset.done $0x0  }
0x23: {  	[sflag:s13] =	ssyncadd.s32 $0xFFFFB000  }
0x24: {  	[bflag:$0x0] =	sbarrier.arrive $0xFFFF  }
0x25: {  	[tilespmem:s17], [sflag:$0x1] =	stream.indirect.gather [hbm4b:s8+s16], $0x40, s2, s16, $0xb8;
	[tilespmem:$0x17AC0] =	vst v63  }
0x26: {  	s28 =	simm.s32 $0x80  }
0x27: {  	[tilespmem:s18], [sflag:$0x2] =	stream.indirect.gather [hbm4b:s8+s16], $0x40, s28, s16, $0xb8;
	[tilespmem:$0x17AC0] =	vst v63  }
0x28: {  	_ =	swait.ge [sflag:s19], $0x1F40  }
0x29: {  	[sflag:s19] =	ssyncset.done $0x0  }
0x2a: {  	s29 =	simm.s32 $0x5000;
	[sflag:s19] =	ssyncadd.s32 $0xFFFFE0C0  }
0x2b: {  	[spmem:s1] =	stream.indirect.scatter.add.f32 [tilespmem:s17], [sflag:$0x3], $0x40, s29, s16, $0xb8;
	[tilespmem:$0x17AC0] =	vst v63  }
0x2c: {  	_ =	swait.ge [sflag:s13], $0x1F40  }
0x2d: {  	[sflag:s13] =	ssyncset.done $0x0  }
0x2e: {  	s30 =	simm.s32 $0x100;
	[sflag:s13] =	ssyncadd.s32 $0xFFFFE0C0  }
0x2f: {  	[tilespmem:s17], [sflag:$0x1] =	stream.indirect.gather [hbm4b:s8+s16], $0x40, s30, s16, $0xb8;
	[tilespmem:$0x17AC0] =	vst v63  }
0x30: {  	_ =	swait.ge [sflag:s20], $0x1F40  }
0x31: {  	[sflag:s20] =	ssyncset.done $0x0  }
0x32: {  	s31 =	simm.s32 $0x5080;
	[sflag:s20] =	ssyncadd.s32 $0xFFFFE0C0  }
0x33: {  	[spmem:s1] =	stream.indirect.scatter.add.f32 [tilespmem:s18], [sflag:$0x3], $0x40, s31, s16, $0xb8;
	[tilespmem:$0x17AC0] =	vst v63  }
0x34: {  	_ =	swait.ge [sflag:s13], $0x1F40  }
0x35: {  	s26 =	simm.s32 $0x800;
	s25 =	simm.s32 $0x100;
	[sflag:s13] =	ssyncset.done $0x0  }
.LBB2_2:
0x36: {  	s28 =	sadd.s32 $0x80, s25  }
0x37: {  	[sflag:s13] =	ssyncadd.s32 $0xFFFFE0C0;
	s29 =	smov.u32 s26;
	s30 =	sadd.s32 $0x400, s26  }
0x38: {  	[tilespmem:s18], [sflag:$0x2] =	stream.indirect.gather [hbm4b:s8+s16], $0x40, s28, s16, $0xb8;
	[tilespmem:$0x17AC0] =	vst v63  }
0x39: {  	p1 =	sne.s32 s26, $0x13800;
	_ =	swait.ge [sflag:s19], $0x1F40  }
0x3a: {  	[sflag:s19] =	ssyncset.done $0x0  }
0x3b: {  	s26 =	sadd.s32 $0x5000, s25;
	[sflag:s19] =	ssyncadd.s32 $0xFFFFE0C0  }
0x3c: {  	[spmem:s1] =	stream.indirect.scatter.add.f32 [tilespmem:s17], [sflag:$0x3], $0x40, s26, s16, $0xb8;
	[tilespmem:$0x17AC0] =	vst v63  }
0x3d: {  	_ =	swait.ge [sflag:s13], $0x1F40  }
0x3e: {  	[sflag:s13] =	ssyncset.done $0x0  }
0x3f: {  	s26 =	sadd.s32 $0x100, s25;
	[sflag:s13] =	ssyncadd.s32 $0xFFFFE0C0  }
0x40: {  	[tilespmem:s17], [sflag:$0x1] =	stream.indirect.gather [hbm4b:s8+s16], $0x40, s26, s16, $0xb8;
	[tilespmem:$0x17AC0] =	vst v63  }
0x41: {  	_ =	swait.ge [sflag:s20], $0x1F40  }
.Ltmp0:
0x42: {  	[sflag:s20] =	ssyncset.done $0x0;
	(pc) =	sbr.rel @p1 .LBB2_2-.Ltmp0, $4  }
0x43: {  	s25 =	sadd.s32 $0x5080, s25;
	[sflag:s20] =	ssyncadd.s32 $0xFFFFE0C0  }
0x44: {  	[spmem:s1] =	stream.indirect.scatter.add.f32 [tilespmem:s18], [sflag:$0x3], $0x40, s25, s16, $0xb8;
	[tilespmem:$0x17AC0] =	vst v63  }
0x45: {  	_ =	swait.ge [sflag:s13], $0x1F40  }
0x46: {  	s26 =	smov.u32 s30;
	s25 =	sshra.s32 s29, $0x2;
	[sflag:s13] =	ssyncset.done $0x0  }
0x47: {  	s26 =	sadd.s32 $0x80, s25;
	[sflag:s13] =	ssyncadd.s32 $0xFFFFE0C0  }
0x48: {  	[tilespmem:s18], [sflag:$0x2] =	stream.indirect.gather [hbm4b:s8+s16], $0x40, s26, s16, $0xb8;
	[tilespmem:$0x17AC0] =	vst v63  }
0x49: {  	_ =	swait.ge [sflag:s19], $0x1F40  }
0x4a: {  	[sflag:s19] =	ssyncset.done $0x0  }
0x4b: {  	s29 =	sadd.s32 $0x5000, s25;
	[sflag:s19] =	ssyncadd.s32 $0xFFFFE0C0  }
0x4c: {  	[spmem:s1] =	stream.indirect.scatter.add.f32 [tilespmem:s17], [sflag:$0x3], $0x40, s29, s16, $0xb8;
	[tilespmem:$0x17AC0] =	vst v63  }
0x4d: {  	_ =	swait.ge [sflag:s13], $0x1F40  }
0x4e: {  	[sflag:s13] =	ssyncset.done $0x0  }
0x4f: {  	s30 =	sadd.s32 $0x100, s25;
	[sflag:s13] =	ssyncadd.s32 $0xFFFFE0C0  }
0x50: {  	[tilespmem:s17], [sflag:$0x1] =	stream.indirect.gather [hbm4b:s8+s16], $0x40, s30, s16, $0xb8;
	[tilespmem:$0x17AC0] =	vst v63  }
0x51: {  	_ =	swait.ge [sflag:s20], $0x1F40  }
0x52: {  	[sflag:s20] =	ssyncset.done $0x0  }
0x53: {  	s31 =	sadd.s32 $0x5080, s25;
	[sflag:s20] =	ssyncadd.s32 $0xFFFFE0C0  }
0x54: {  	[spmem:s1] =	stream.indirect.scatter.add.f32 [tilespmem:s18], [sflag:$0x3], $0x40, s31, s16, $0xb8;
	[tilespmem:$0x17AC0] =	vst v63  }
0x55: {  	_ =	swait.ge [sflag:s13], $0x1F40  }
0x56: {  	[sflag:s13] =	ssyncset.done $0x0  }
0x57: {  	[sflag:s13] =	ssyncadd.s32 $0xFFFFE0C0  }
0x58: {  	[tilespmem:s18], [sflag:$0x2] =	stream.indirect.gather [hbm4b:s8+s16], $0x40, s21, s16, $0xb8;
	[tilespmem:$0x17AC0] =	vst v63  }
0x59: {  	_ =	swait.ge [sflag:s19], $0x1F40  }
0x5a: {  	[sflag:s19] =	ssyncset.done $0x0  }
0x5b: {  	[sflag:s19] =	ssyncadd.s32 $0xFFFFE0C0  }
0x5c: {  	[spmem:s1] =	stream.indirect.scatter.add.f32 [tilespmem:s17], [sflag:$0x3], $0x40, s22, s16, $0xb8;
	[tilespmem:$0x17AC0] =	vst v63  }
0x5d: {  	_ =	swait.ge [sflag:s13], $0x1F40  }
0x5e: {  	[sflag:s13] =	ssyncset.done $0x0  }
0x5f: {  	[sflag:s13] =	ssyncadd.s32 $0xFFFFE0C0  }
0x60: {  	_ =	swait.ge [sflag:s20], $0x1F40  }
0x61: {  	[sflag:s20] =	ssyncset.done $0x0  }
0x62: {  	[sflag:s20] =	ssyncadd.s32 $0xFFFFE0C0  }
0x63: {  	[spmem:s1] =	stream.indirect.scatter.add.f32 [tilespmem:s18], [sflag:$0x3], $0x40, s23, s16, $0xb8;
	[tilespmem:$0x17AC0] =	vst v63  }
0x64: {  	_ =	swait.ge [sflag:s13], $0x1F40  }
0x65: {  	[sflag:s13] =	ssyncset.done $0x0  }
0x66: {  	[sflag:s13] =	ssyncadd.s32 $0xFFFFE0C0  }
0x67: {  	[bflag:$0x0] =	sbarrier.arrive $0xFFFF  }
0x68: {  	[hbm:s9], [sflag:s4] =	dma.local [spmem:s12], $0x1380  }
0x69: {  	s24 =	sadd.s32 $0x1, s24;
	_ =	swait.ge [sflag:s13], $0x1380  }
0x6a: {  	p1 =	sne.s32 s24, s11;
	[sflag:s13] =	ssyncset.done $0x0  }
.Ltmp1:
0x6b: {  	s25 =	simm.s32 @!p0 $0x3;
	[sflag:s13] =	ssyncadd.s32 $0xFFFFEC80;
	(pc) =	sbr.rel @p1 .LBB2_1-.Ltmp1, $4  }
0x6c: {  	[hbm:s10], [sflag:s4] =	dma.local @!p0 [spmem:s14], $0x80  }
0x6d: {  	_ =	swait.ge @!p0 [sflag:s25], $0x80  }
0x6e: {  	[sflag:s25] =	ssyncset.done @!p0 $0x0  }
0x6f: {  	[sflag:s25] =	ssyncadd.s32 @!p0 $0xFFFFFF80  }
0x70: {  	_ =	sfence.sel $0x180000  }
0x71: {  	[bflag:$0x0] =	sbarrier.arrive $0xFFFF  }
0x72: {  	_ =	strace $0x9000004A  }
0x73: {  	s0 =	sadd.s32 @!p0 $0x100000, s0;
	[bflag:$0x2] =	sbarrier.arrive $0xFFFF  }
0x74: {  	[sflag:s0] =	ssyncadd.tile.s32 @!p0 $0x1;
	_ =	shalt  }
.Lfunc_end2:
_tile_overlayer_lowered:
.L_overlay_start_2:
0x75: {  	(tag) =	ssettag $0x2  }
0x76: {  	s0 =	rddreg [dreg:$0x0];
	s2 =	stileid.u32  }
0x77: {  	s1 =	rddreg [dreg:$0x1];
	p0 =	sne.s32 s2, $0x0  }
0x78: {  	s3 =	rddreg [dreg:$0x2];
	[bflag:$0x3] =	sbarrier.arrive $0xFFFF;
	s2 =	simm.s32 @!p0 $0x1C03  }
0x79: {  	[timem:s3], [sflag:s2] =	dma.local @!p0 [hbm:s0], s1  }
0x7a: {  	s0 =	simm.s32 @!p0 $0x3  }
0x7b: {  	_ =	swait.ge @!p0 [sflag:s0], s1  }
0x7c: {  	s1 =	ssub.s32 @!p0 $0x0, s1;
	[sflag:s0] =	ssyncset.done @!p0 $0x0  }
0x7d: {  	[sflag:s0] =	ssyncadd.s32 @!p0 s1  }
0x7e: {  	[bflag:$0x3] =	sbarrier.arrive $0xFFFF  }
0x7f: {  	_ =	shalt  }

// kernel: kernel.7.cloned.1.call-start
scs
__scs_entry_jumppad:
0x0: {  	(pc) =	sbr.rel $0x88, $3  }
0x1: {  	(tag) =	ssettag $0x0;
	lr =	simm.s32 $0x1  }
0x2: {  	[smem:$0x3F95] =	sst lr;
	_ =	strace $0xD0000000  }
0x3: {  	_ = 	snop  }
0x4: {  	_ = 	snop  }
0x5: {  	_ = 	snop  }
0x6: {  	_ = 	snop  }
0x7: {  	_ = 	snop  }
__scs_overlays_trampoline_lowered:
0x8: {  	[smem:$0x3FA4] =	sst s0  }
0x9: {  	[smem:$0x3FA5] =	sst s1  }
0xa: {  	[smem:$0x3FA6] =	sst s2  }
0xb: {  	[smem:$0x3FA7] =	sst s3  }
0xc: {  	[smem:$0x3FA8] =	sst s4  }
0xd: {  	[smem:$0x3FA9] =	sst s5  }
0xe: {  	[smem:$0x3FAA] =	sst s6  }
0xf: {  	[smem:$0x3FAB] =	sst s7  }
0x10: {  	[smem:$0x3FAC] =	sst s8  }
0x11: {  	[smem:$0x3FAD] =	sst s9;
	s0 =	simm.s32 @!p0 $0x0  }
0x12: {  	s1 =	sld [smem:$0x3F93];
	s0 =	simm.s32 @p0 $0x1  }
0x13: {  	[smem:$0x3FAE] =	sst s0;
	s0 =	simm.s32 @!p1 $0x0  }
0x14: {  	s2 =	sld [smem:$0x3F92];
	s0 =	simm.s32 @p1 $0x1  }
0x15: {  	[smem:$0x3FAF] =	sst s0;
	s0 =	simm.s32 @!p2 $0x0  }
0x16: {  	s3 =	sld [smem:$0x3FDB];
	s0 =	simm.s32 @p2 $0x1  }
0x17: {  	s4 =	simm.s32 $0x1BF5;
	[smem:$0x3FB1] =	sst s0  }
0x18: {  	s0 =	sld [smem:$0x3F94];
	_ =	swait.ge [sflag:s4], $0x0  }
0x19: {  	s7 =	sld [smem:$0x3F95]  }
0x1a: {  	s8 =	sadd.s32 $0xFFFFE003, lr  }
0x1b: {  	s9 =	sadd.s32 $0xFFFFFEF7, lr;
	s5 =	simm.s32 $0xFFFFFFFF;
	p2 =	slt.u32 s8, $0xFFFFF086  }
0x1c: {  	p1 =	slt.u32 s9, $0xF7A;
	s5 =	simm.s32 @!p2 $0x0  }
0x1d: {  	s5 =	simm.s32 @p1 $0x1;
	p0 =	seq.s32 s7, s2  }
0x1e: {  	s7 =	smul.u32 @!p0 $0xF7A, s2;
	p2 =	seq.s32 @!p0 s5, $0x0  }
0x1f: {  	s9 =	smul.u32 $0xF7A, s1;
	s8 =	simm.s32 @!p0 $0x1BF5;
	p2 =	por !p2, p0  }
0x20: {  	[sflag:s8] =	ssyncset.s32 @!p0 $0xFFFFF086;
	s6 =	sadd.s32 @!p0 s3, s7;
	s7 =	simm.s32 @!p0 $0x108  }
0x21: {  	s3 =	sadd.s32 s3, s9;
	s6 =	sadd.s32 @!p0 $0x88, s6;
	s7 =	simm.s32 @p2 $0x1082  }
0x22: {  	[simem:s7], [sflag:s8] =	dma.local @!p0 [hbm:s6], $0xF7A  }
0x23: {  	s9 =	sor.u32 $0xD0000000, s2;
	s6 =	simm.s32 $0x108;
	_ =	swait.ge @!p0 [sflag:s8], $0x0  }
0x24: {  	s3 =	sadd.s32 $0x88, s3;
	s6 =	simm.s32 @!p1 $0x1082;
	[sflag:s4] =	ssyncset.s32 $0xFFFFF086  }
0x25: {  	[simem:s6], [sflag:s4] =	dma.local [hbm:s3], $0xF7A  }
0x26: {  	[smem:$0x3F95] =	sst s1;
	(tag) =	ssettag s2;
	_ =	strace s9  }
0x27: {  	s1 =	sld [smem:$0x3FA5]  }
0x28: {  	s2 =	sld [smem:$0x3FA6]  }
0x29: {  	s4 =	sld [smem:$0x3FA8]  }
0x2a: {  	p0 =	seq.s32 s5, $0x0;
	s5 =	sld [smem:$0x3FA9]  }
0x2b: {  	s6 =	sld [smem:$0x3FAA]  }
0x2c: {  	s7 =	sld [smem:$0x3FAB]  }
0x2d: {  	s3 =	simm.s32 $0x108;
	s8 =	sld [smem:$0x3FAC]  }
0x2e: {  	s3 =	simm.s32 @!p0 $0x1082;
	s9 =	sld [smem:$0x3FAD]  }
0x2f: {  	lr =	sadd.s32 s0, s3;
	s0 =	sld [smem:$0x3FA4]  }
0x30: {  	s3 =	sld [smem:$0x3FA7]  }
0x31: {  	[smem:$0x3FB0] =	sst s10  }
0x32: {  	s10 =	sld [smem:$0x3FAE];
	_ =	sdelay $0x3  }
0x33: {  	p0 =	seq.s32 s10, $0x1;
	s10 =	sld [smem:$0x3FB0];
	_ =	sdelay $0x3  }
0x34: {  	[smem:$0x3FB0] =	sst s10  }
0x35: {  	s10 =	sld [smem:$0x3FAF];
	_ =	sdelay $0x3  }
0x36: {  	p1 =	seq.s32 s10, $0x1;
	s10 =	sld [smem:$0x3FB0];
	_ =	sdelay $0x3  }
0x37: {  	[smem:$0x3FB0] =	sst s10  }
0x38: {  	s10 =	sld [smem:$0x3FB1]  }
0x39: {  	_ = 	snop;
	(pc) =	sbr.ind lr, $3  }
0x3a: {  	_ = 	snop  }
0x3b: {  	_ = 	snop  }
0x3c: {  	p2 =	seq.s32 s10, $0x1;
	s10 =	sld [smem:$0x3FB0]  }
0x3d: {  	_ =	shalt  }
0x3e: {  	_ =	shalt  }
0x3f: {  	_ =	shalt  }
0x40: {  	_ =	shalt  }
0x41: {  	_ =	shalt  }
0x42: {  	_ =	shalt  }
0x43: {  	_ =	shalt  }
0x44: {  	_ =	shalt  }
0x45: {  	_ =	shalt  }
0x46: {  	_ =	shalt  }
0x47: {  	_ =	shalt  }
0x48: {  	_ =	shalt  }
0x49: {  	_ =	shalt  }
0x4a: {  	_ =	shalt  }
0x4b: {  	_ =	shalt  }
0x4c: {  	_ =	shalt  }
0x4d: {  	_ =	shalt  }
0x4e: {  	_ =	shalt  }
0x4f: {  	_ =	shalt  }
0x50: {  	_ =	shalt  }
0x51: {  	_ =	shalt  }
0x52: {  	_ =	shalt  }
0x53: {  	_ =	shalt  }
0x54: {  	_ =	shalt  }
0x55: {  	_ =	shalt  }
0x56: {  	_ =	shalt  }
0x57: {  	_ =	shalt  }
0x58: {  	_ =	shalt  }
0x59: {  	_ =	shalt  }
0x5a: {  	_ =	shalt  }
0x5b: {  	_ =	shalt  }
0x5c: {  	_ =	shalt  }
0x5d: {  	_ =	shalt  }
0x5e: {  	_ =	shalt  }
0x5f: {  	_ =	shalt  }
0x60: {  	_ =	shalt  }
0x61: {  	_ =	shalt  }
0x62: {  	_ =	shalt  }
0x63: {  	_ =	shalt  }
0x64: {  	_ =	shalt  }
0x65: {  	_ =	shalt  }
0x66: {  	_ =	shalt  }
0x67: {  	_ =	shalt  }
0x68: {  	_ =	shalt  }
0x69: {  	_ =	shalt  }
0x6a: {  	_ =	shalt  }
0x6b: {  	_ =	shalt  }
0x6c: {  	_ =	shalt  }
0x6d: {  	_ =	shalt  }
0x6e: {  	_ =	shalt  }
0x6f: {  	_ =	shalt  }
0x70: {  	_ =	shalt  }
0x71: {  	_ =	shalt  }
0x72: {  	_ =	shalt  }
0x73: {  	_ =	shalt  }
0x74: {  	_ =	shalt  }
0x75: {  	_ =	shalt  }
0x76: {  	_ =	shalt  }
0x77: {  	_ =	shalt  }
0x78: {  	_ =	shalt  }
0x79: {  	_ =	shalt  }
0x7a: {  	_ =	shalt  }
0x7b: {  	_ =	shalt  }
0x7c: {  	_ =	shalt  }
0x7d: {  	_ =	shalt  }
0x7e: {  	_ =	shalt  }
0x7f: {  	_ =	shalt  }
0x80: {  	_ =	shalt  }
0x81: {  	_ =	shalt  }
0x82: {  	_ =	shalt  }
0x83: {  	_ =	shalt  }
0x84: {  	_ =	shalt  }
0x85: {  	_ =	shalt  }
0x86: {  	_ =	shalt  }
0x87: {  	_ =	shalt  }
.Lfunc_end0:
.L_simem_size_0:
called_computation_lowered:
.L_overlay_start_0:
0x88: {  	s2 =	sld [smem:$0x3FD9]  }
0x89: {  	s3 =	sld [smem:$0x3FFE];
	_ =	sdelay $0x1  }
0x8a: {  	s1 =	srdreg.scid  }
0x8b: {  	s0 =	sand.u32 $0x1, s1  }
0x8c: {  	s17 =	sshll.u32 s0, $0xA;
	s2 =	sadd.s32 s3, s2  }
0x8d: {  	s2 =	sadd.s32 s2, s17  }
0x8e: {  	[smem:$0x3FBC] =	sst s2  }
0x8f: {  	_ = 	snop  }
0x90: {  	s2 =	sld [smem:$0x3FD0];
	(tm) =	ssettm $0x1  }
0x91: {  	s18 =	sld [smem:$0x3FFB];
	_ =	sdelay $0x3  }
0x92: {  	_ =	strace s18  }
0x93: {  	s3 =	sld [smem:$0x3FFC];
	_ =	sdelay $0x3  }
0x94: {  	_ =	strace s3  }
0x95: {  	s3 =	sld [smem:$0x3FFD];
	_ =	sdelay $0x3  }
0x96: {  	_ =	strace s3  }
0x97: {  	_ =	strace $0x8FFFFFFF  }
0x98: {  	s19 =	sld [smem:$0x3FDB];
	_ =	sdelay $0x1  }
0x99: {  	s4 =	simm.s32 $_scs_section_size  }
0x9a: {  	s5 =	simm.s32 $_size__tile_overlayer_lowered;
	s6 =	simm.s32 $_tile_overlayer_lowered  }
0x9b: {  	s22 =	simm.s32 $0x1BFF;
	s21 =	sshll.u32 s6, $0x1;
	s3 =	sadd.s32 s4, s19  }
0x9c: {  	s7 =	simm.s32 $0x0;
	s20 =	sshll.u32 s5, $0x1;
	s5 =	sadd.s32 s21, s3  }
0x9d: {  	[timem:s7], [sflag:s22] =	dma.local [hbm:s5], s20  }
0x9e: {  	_ =	swait.ge [sflag:s22], s20  }
0x9f: {  	s4 =	ssub.s32 $0x0, s20;
	[sflag:s22] =	ssyncset.done $0x0  }
0xa0: {  	[sflag:s22] =	ssyncadd.s32 s4;
	_ =	sdelay $0x1  }
0xa1: {  	s23 =	simm.s32 $0x1B8B  }
0xa2: {  	_ =	swait.ge [sflag:s23], $0x1  }
0xa3: {  	[sflag:s23] =	ssyncset.done $0x0  }
0xa4: {  	s25 =	simm.s32 $0x1B8E;
	s24 =	sld [smem:$0x3FFE];
	[sflag:s23] =	ssyncadd.s32 $0xFFFFFFFF  }
0xa5: {  	s26 =	simm.s32 $execute0_lowered;
	[smem:$0x3FD2] =	sst s25  }
0xa6: {  	s5 =	sshll.u32 s26, $0x1;
	_ =	strace $0x80000046;
	[dreg:$0x1] =	wrdreg $0xFFFFFFFF  }
0xa7: {  	s28 =	simm.s32 $_size_execute0_lowered;
	s3 =	sadd.s32 s3, s5;
	[dreg:$0x0] =	wrdreg $0x0  }
0xa8: {  	s5 =	sshll.u32 s28, $0x1;
	[dreg:$0x2] =	wrdreg s3  }
0xa9: {  	[dreg:$0x3] =	wrdreg s5  }
0xaa: {  	[dreg:$0x4] =	wrdreg $0xC0  }
0xab: {  	_ =	task [dreg:s7], $0x5FFFF  }
0xac: {  	[dreg:$0x1] =	wrdreg $0xFFFFFFFF  }
0xad: {  	[dreg:$0x0] =	wrdreg $0x60  }
0xae: {  	[dreg:$0x2] =	wrdreg s2  }
0xaf: {  	[dreg:$0x3] =	wrdreg s24  }
0xb0: {  	[dreg:$0x4] =	wrdreg $0xDE800  }
0xb1: {  	[dreg:$0x5] =	wrdreg $0x9  }
0xb2: {  	_ =	task.clear_ibuf [dreg:s7], $0x6FFFF;
	_ =	strace $0x90000046  }
0xb3: {  	s29 =	simm.s32 $0x9;
	_ =	strace $0x80000048  }
0xb4: {  	_ =	swait.ge [sflag:s29], $0x1  }
0xb5: {  	[sflag:s29] =	ssyncadd.s32 $0xFFFFFFFF  }
0xb6: {  	_ =	strace $0x90000048  }
0xb7: {  	_ =	sfence  }
0xb8: {  	s30 =	sld [smem:$0x0];
	_ =	sdelay $0x2  }
0xb9: {  	s31 =	sshll.u32 s1, $0xD;
	s1 =	sshrl.u32 s1, $0x2  }
0xba: {  	s3 =	sand.u32 $0x4000, s31;
	s1 =	sadd.s32 s1, s30  }
0xbb: {  	s0 =	sor.u32 s3, s0;
	s1 =	sshll.u32 s1, $0x11  }
0xbc: {  	s0 =	sor.u32 s1, s0  }
0xbd: {  	s0 =	sadd.s32 $0x8F2B, s0  }
0xbe: {  	[sflag:s0] =	ssyncadd.remote.s32 $0x1  }
0xbf: {  	_ =	sfence.sel $0xFFFF  }
0xc0: {  	[dreg:$0x0] =	wrdreg $0xFFFFFFFF;
	(pc) =	sbr.abs _section_cstart, $3  }
0xc1: {  	[dreg:$0x1] =	wrdreg $0xFFFFFFFF  }
0xc2: {  	_ =	task.clear_ibuf [dreg:s7], $0x2FFFF;
	_ =	strace $0x9FFFFFFF  }
0xc3: {  	(tm) =	ssettm $0x7FFFFFFF  }
tec
execute0_lowered:
.L_overlay_start_1:
0x0: {  	(tag) =	ssettag $0x1  }
0x1: {  	s8 =	rddreg [dreg:$0x0]  }
0x2: {  	s5 =	rddreg [dreg:$0x1]  }
0x3: {  	s1 =	rddreg [dreg:$0x2]  }
0x4: {  	s0 =	rddreg [dreg:$0x3];
	s2 =	simm.s32 $0x0;
	s12 =	stileid.u32  }
0x5: {  	s6 =	srdreg.scid;
	s17 =	simm.s32 $0xA000;
	s18 =	simm.s32 $0xBF40  }
0x6: {  	s19 =	simm.s32 $0x1;
	s20 =	simm.s32 $0x2;
	s21 =	simm.s32 $0x4F80  }
0x7: {  	s22 =	simm.s32 $0x9F00;
	s23 =	simm.s32 $0x9F80;
	s3 =	smul.u32 $0xA00, s12  }
0x8: {  	s24 =	simm.s32 $0x0;
	[smem:$0x7FF] =	sst s2;
	s4 =	smul.u32 $0x9C00, s12  }
0x9: {  	s6 =	sand.u32 $0x1, s6;
	s10 =	sadd.s32 $0x29A00, s5;
	s30 =	smul.u32 $0x1380, s12  }
0xa: {  	s31 =	sshll.u32 s12, $0x6;
	s15 =	sadd.s32 $0x9C000, s1;
	p0 =	sne.s32 s12, $0x0  }
0xb: {  	_ =	strace $0x80000047;
	s9 =	ssub.s32 $0x2, s6;
	s14 =	smul.u32 $0x9C400, s6  }
0xc: {  	s16 =	smul.u32 $0x13880, s6;
	s7 =	sadd.s32 s3, s5;
	s29 =	sshrl.u32 s4, $0x3  }
0xd: {  	s11 =	sshrl.u32 s9, $0x1;
	s13 =	sadd.s32 s4, s1;
	s4 =	sor.u32 $0x1C03, s31  }
0xe: {  	s3 =	sadd.s32 s29, s5;
	s11 =	ssub.s32 s9, s11;
	s5 =	sadd.s32 $0x29800, s5  }
0xf: {  	s6 =	sadd.s32 $0x2000, s7;
	s14 =	sshrl.u32 s14, $0x3;
	s7 =	sadd.s32 $0xC000, s7  }
0x10: {  	s9 =	sadd.s32 s30, s16;
	s8 =	sadd.s32 s8, s16;
	s12 =	sshrl.u32 s13, $0x3  }
0x11: {  	s13 =	simm.s32 $0x3;
	s16 =	simm.s32 $0x7D;
	s3 =	sadd.s32 $0x16000, s3  }
0x12: {  	s14 =	sadd.s32 s10, s14;
	s9 =	sadd.s32 s10, s9;
	s11 =	smax.u32 s11, $0x1  }
0x13: {  	s10 =	sadd.s32 $0x13800, s14;
	s14 =	sshrl.u32 @!p0 s15, $0x3;
	s15 =	simm.s32 $0x5000  }
.LBB2_1:
0x14: {  	[spmem:s12], [sflag:s4] =	dma.local [hbm:s3], $0x1380  }
0x15: {  	_ =	swait.ge [sflag:s13], $0x1380  }
0x16: {  	[sflag:s13] =	ssyncset.done $0x0  }
0x17: {  	s25 =	simm.s32 @!p0 $0x3;
	[sflag:s13] =	ssyncadd.s32 $0xFFFFEC80  }
0x18: {  	[spmem:s14], [sflag:s4] =	dma.local @!p0 [hbm:s5], $0x80  }
0x19: {  	_ =	swait.ge @!p0 [sflag:s25], $0x80  }
0x1a: {  	[sflag:s25] =	ssyncset.done @!p0 $0x0  }
0x1b: {  	[sflag:s25] =	ssyncadd.s32 @!p0 $0xFFFFFF80  }
0x1c: {  	[tilespmem:s2], [sflag:$0x3] =	stream.linear.gather [hbm4b:s6+s2], $0x5000, $0x38;
	[tilespmem:$0x17AC0] =	vst v63  }
0x1d: {  	_ =	swait.ge [sflag:s13], $0x5000  }
0x1e: {  	[sflag:s13] =	ssyncset.done $0x0  }
0x1f: {  	[sflag:s13] =	ssyncadd.s32 $0xFFFFB000  }
0x20: {  	[tilespmem:s15], [sflag:$0x3] =	stream.linear.gather [hbm4b:s7+s2], $0x5000, $0x38;
	[tilespmem:$0x17AC0] =	vst v63  }
0x21: {  	_ =	swait.ge [sflag:s13], $0x5000  }
0x22: {  	[sflag:s13] =	ssyncset.done $0x0  }
0x23: {  	[sflag:s13] =	ssyncadd.s32 $0xFFFFB000  }
0x24: {  	[bflag:$0x0] =	sbarrier.arrive $0xFFFF  }
0x25: {  	[tilespmem:s17], [sflag:$0x1] =	stream.indirect.gather [hbm4b:s8+s16], $0x40, s2, s16, $0xb8;
	[tilespmem:$0x17AC0] =	vst v63  }
0x26: {  	s28 =	simm.s32 $0x80  }
0x27: {  	[tilespmem:s18], [sflag:$0x2] =	stream.indirect.gather [hbm4b:s8+s16], $0x40, s28, s16, $0xb8;
	[tilespmem:$0x17AC0] =	vst v63  }
0x28: {  	_ =	swait.ge [sflag:s19], $0x1F40  }
0x29: {  	[sflag:s19] =	ssyncset.done $0x0  }
0x2a: {  	s29 =	simm.s32 $0x5000;
	[sflag:s19] =	ssyncadd.s32 $0xFFFFE0C0  }
0x2b: {  	[spmem:s1] =	stream.indirect.scatter.add.f32 [tilespmem:s17], [sflag:$0x3], $0x40, s29, s16, $0xb8;
	[tilespmem:$0x17AC0] =	vst v63  }
0x2c: {  	_ =	swait.ge [sflag:s13], $0x1F40  }
0x2d: {  	[sflag:s13] =	ssyncset.done $0x0  }
0x2e: {  	s30 =	simm.s32 $0x100;
	[sflag:s13] =	ssyncadd.s32 $0xFFFFE0C0  }
0x2f: {  	[tilespmem:s17], [sflag:$0x1] =	stream.indirect.gather [hbm4b:s8+s16], $0x40, s30, s16, $0xb8;
	[tilespmem:$0x17AC0] =	vst v63  }
0x30: {  	_ =	swait.ge [sflag:s20], $0x1F40  }
0x31: {  	[sflag:s20] =	ssyncset.done $0x0  }
0x32: {  	s31 =	simm.s32 $0x5080;
	[sflag:s20] =	ssyncadd.s32 $0xFFFFE0C0  }
0x33: {  	[spmem:s1] =	stream.indirect.scatter.add.f32 [tilespmem:s18], [sflag:$0x3], $0x40, s31, s16, $0xb8;
	[tilespmem:$0x17AC0] =	vst v63  }
0x34: {  	_ =	swait.ge [sflag:s13], $0x1F40  }
0x35: {  	s26 =	simm.s32 $0x800;
	s25 =	simm.s32 $0x100;
	[sflag:s13] =	ssyncset.done $0x0  }
.LBB2_2:
0x36: {  	s28 =	sadd.s32 $0x80, s25  }
0x37: {  	[sflag:s13] =	ssyncadd.s32 $0xFFFFE0C0;
	s29 =	smov.u32 s26;
	s30 =	sadd.s32 $0x400, s26  }
0x38: {  	[tilespmem:s18], [sflag:$0x2] =	stream.indirect.gather [hbm4b:s8+s16], $0x40, s28, s16, $0xb8;
	[tilespmem:$0x17AC0] =	vst v63  }
0x39: {  	p1 =	sne.s32 s26, $0x13800;
	_ =	swait.ge [sflag:s19], $0x1F40  }
0x3a: {  	[sflag:s19] =	ssyncset.done $0x0  }
0x3b: {  	s26 =	sadd.s32 $0x5000, s25;
	[sflag:s19] =	ssyncadd.s32 $0xFFFFE0C0  }
0x3c: {  	[spmem:s1] =	stream.indirect.scatter.add.f32 [tilespmem:s17], [sflag:$0x3], $0x40, s26, s16, $0xb8;
	[tilespmem:$0x17AC0] =	vst v63  }
0x3d: {  	_ =	swait.ge [sflag:s13], $0x1F40  }
0x3e: {  	[sflag:s13] =	ssyncset.done $0x0  }
0x3f: {  	s26 =	sadd.s32 $0x100, s25;
	[sflag:s13] =	ssyncadd.s32 $0xFFFFE0C0  }
0x40: {  	[tilespmem:s17], [sflag:$0x1] =	stream.indirect.gather [hbm4b:s8+s16], $0x40, s26, s16, $0xb8;
	[tilespmem:$0x17AC0] =	vst v63  }
0x41: {  	_ =	swait.ge [sflag:s20], $0x1F40  }
.Ltmp0:
0x42: {  	[sflag:s20] =	ssyncset.done $0x0;
	(pc) =	sbr.rel @p1 .LBB2_2-.Ltmp0, $4  }
0x43: {  	s25 =	sadd.s32 $0x5080, s25;
	[sflag:s20] =	ssyncadd.s32 $0xFFFFE0C0  }
0x44: {  	[spmem:s1] =	stream.indirect.scatter.add.f32 [tilespmem:s18], [sflag:$0x3], $0x40, s25, s16, $0xb8;
	[tilespmem:$0x17AC0] =	vst v63  }
0x45: {  	_ =	swait.ge [sflag:s13], $0x1F40  }
0x46: {  	s26 =	smov.u32 s30;
	s25 =	sshra.s32 s29, $0x2;
	[sflag:s13] =	ssyncset.done $0x0  }
0x47: {  	s26 =	sadd.s32 $0x80, s25;
	[sflag:s13] =	ssyncadd.s32 $0xFFFFE0C0  }
0x48: {  	[tilespmem:s18], [sflag:$0x2] =	stream.indirect.gather [hbm4b:s8+s16], $0x40, s26, s16, $0xb8;
	[tilespmem:$0x17AC0] =	vst v63  }
0x49: {  	_ =	swait.ge [sflag:s19], $0x1F40  }
0x4a: {  	[sflag:s19] =	ssyncset.done $0x0  }
0x4b: {  	s29 =	sadd.s32 $0x5000, s25;
	[sflag:s19] =	ssyncadd.s32 $0xFFFFE0C0  }
0x4c: {  	[spmem:s1] =	stream.indirect.scatter.add.f32 [tilespmem:s17], [sflag:$0x3], $0x40, s29, s16, $0xb8;
	[tilespmem:$0x17AC0] =	vst v63  }
0x4d: {  	_ =	swait.ge [sflag:s13], $0x1F40  }
0x4e: {  	[sflag:s13] =	ssyncset.done $0x0  }
0x4f: {  	s30 =	sadd.s32 $0x100, s25;
	[sflag:s13] =	ssyncadd.s32 $0xFFFFE0C0  }
0x50: {  	[tilespmem:s17], [sflag:$0x1] =	stream.indirect.gather [hbm4b:s8+s16], $0x40, s30, s16, $0xb8;
	[tilespmem:$0x17AC0] =	vst v63  }
0x51: {  	_ =	swait.ge [sflag:s20], $0x1F40  }
0x52: {  	[sflag:s20] =	ssyncset.done $0x0  }
0x53: {  	s31 =	sadd.s32 $0x5080, s25;
	[sflag:s20] =	ssyncadd.s32 $0xFFFFE0C0  }
0x54: {  	[spmem:s1] =	stream.indirect.scatter.add.f32 [tilespmem:s18], [sflag:$0x3], $0x40, s31, s16, $0xb8;
	[tilespmem:$0x17AC0] =	vst v63  }
0x55: {  	_ =	swait.ge [sflag:s13], $0x1F40  }
0x56: {  	[sflag:s13] =	ssyncset.done $0x0  }
0x57: {  	[sflag:s13] =	ssyncadd.s32 $0xFFFFE0C0  }
0x58: {  	[tilespmem:s18], [sflag:$0x2] =	stream.indirect.gather [hbm4b:s8+s16], $0x40, s21, s16, $0xb8;
	[tilespmem:$0x17AC0] =	vst v63  }
0x59: {  	_ =	swait.ge [sflag:s19], $0x1F40  }
0x5a: {  	[sflag:s19] =	ssyncset.done $0x0  }
0x5b: {  	[sflag:s19] =	ssyncadd.s32 $0xFFFFE0C0  }
0x5c: {  	[spmem:s1] =	stream.indirect.scatter.add.f32 [tilespmem:s17], [sflag:$0x3], $0x40, s22, s16, $0xb8;
	[tilespmem:$0x17AC0] =	vst v63  }
0x5d: {  	_ =	swait.ge [sflag:s13], $0x1F40  }
0x5e: {  	[sflag:s13] =	ssyncset.done $0x0  }
0x5f: {  	[sflag:s13] =	ssyncadd.s32 $0xFFFFE0C0  }
0x60: {  	_ =	swait.ge [sflag:s20], $0x1F40  }
0x61: {  	[sflag:s20] =	ssyncset.done $0x0  }
0x62: {  	[sflag:s20] =	ssyncadd.s32 $0xFFFFE0C0  }
0x63: {  	[spmem:s1] =	stream.indirect.scatter.add.f32 [tilespmem:s18], [sflag:$0x3], $0x40, s23, s16, $0xb8;
	[tilespmem:$0x17AC0] =	vst v63  }
0x64: {  	_ =	swait.ge [sflag:s13], $0x1F40  }
0x65: {  	[sflag:s13] =	ssyncset.done $0x0  }
0x66: {  	[sflag:s13] =	ssyncadd.s32 $0xFFFFE0C0  }
0x67: {  	[bflag:$0x0] =	sbarrier.arrive $0xFFFF  }
0x68: {  	[hbm:s9], [sflag:s4] =	dma.local [spmem:s12], $0x1380  }
0x69: {  	s24 =	sadd.s32 $0x1, s24;
	_ =	swait.ge [sflag:s13], $0x1380  }
0x6a: {  	p1 =	sne.s32 s24, s11;
	[sflag:s13] =	ssyncset.done $0x0  }
.Ltmp1:
0x6b: {  	s25 =	simm.s32 @!p0 $0x3;
	[sflag:s13] =	ssyncadd.s32 $0xFFFFEC80;
	(pc) =	sbr.rel @p1 .LBB2_1-.Ltmp1, $4  }
0x6c: {  	[hbm:s10], [sflag:s4] =	dma.local @!p0 [spmem:s14], $0x80  }
0x6d: {  	_ =	swait.ge @!p0 [sflag:s25], $0x80  }
0x6e: {  	[sflag:s25] =	ssyncset.done @!p0 $0x0  }
0x6f: {  	[sflag:s25] =	ssyncadd.s32 @!p0 $0xFFFFFF80  }
0x70: {  	_ =	sfence.sel $0x180000  }
0x71: {  	[bflag:$0x0] =	sbarrier.arrive $0xFFFF  }
0x72: {  	_ =	strace $0x90000047  }
0x73: {  	s0 =	sadd.s32 @!p0 $0x100000, s0;
	[bflag:$0x2] =	sbarrier.arrive $0xFFFF  }
0x74: {  	[sflag:s0] =	ssyncadd.tile.s32 @!p0 $0x1;
	_ =	shalt  }
.Lfunc_end2:
_tile_overlayer_lowered:
.L_overlay_start_2:
0x75: {  	(tag) =	ssettag $0x2  }
0x76: {  	s0 =	rddreg [dreg:$0x0];
	s2 =	stileid.u32  }
0x77: {  	s1 =	rddreg [dreg:$0x1];
	p0 =	sne.s32 s2, $0x0  }
0x78: {  	s3 =	rddreg [dreg:$0x2];
	[bflag:$0x3] =	sbarrier.arrive $0xFFFF;
	s2 =	simm.s32 @!p0 $0x1C03  }
0x79: {  	[timem:s3], [sflag:s2] =	dma.local @!p0 [hbm:s0], s1  }
0x7a: {  	s0 =	simm.s32 @!p0 $0x3  }
0x7b: {  	_ =	swait.ge @!p0 [sflag:s0], s1  }
0x7c: {  	s1 =	ssub.s32 @!p0 $0x0, s1;
	[sflag:s0] =	ssyncset.done @!p0 $0x0  }
0x7d: {  	[sflag:s0] =	ssyncadd.s32 @!p0 s1  }
0x7e: {  	[bflag:$0x3] =	sbarrier.arrive $0xFFFF  }
0x7f: {  	_ =	shalt  }

</sc_bundles>
